<compile_context>
chip_gen: v7x
topology: tpu7x:2x2x1
jax: 0.10.2.dev20260603
libtpu: 0.0.44.dev20260713+nightly
codegen_flags: <defaults>
</compile_context>

<pallas_src>
import functools
import jax
import jax.numpy as jnp
from jax import lax
from jax.experimental import pallas as pl
from jax.experimental.pallas import tpu as pltpu
from jax.experimental.pallas import tpu_sc as plsc

N = 10000
E = 320000
D = 128
H = 128
B = 4096

NC = 2
NS = 16
NW = NC * NS
NP = 10240
ET = E // NW
C = 80
NCHUNK = ET // C
RPT = NP // NS

_mesh = plsc.VectorSubcoreMesh(
    core_axis_name="c", subcore_axis_name="s", num_cores=NC, num_subcores=NS
)


def _sc_agg_body(h_hbm, er_hbm, z2_hbm, z1_hbm, agg_out, deg_out,
                 src_idx, dst_idx, rows, ones, agg_s, deg_s, sem):
    cid = lax.axis_index("c")
    sid = lax.axis_index("s")
    wid = sid * NC + cid

    pltpu.sync_copy(z2_hbm.at[pl.ds(sid * RPT, RPT)],
                    agg_s.at[pl.ds(sid * RPT, RPT)])
    pltpu.sync_copy(z1_hbm.at[pl.ds(sid * RPT, RPT)],
                    deg_s.at[pl.ds(sid * RPT, RPT)])

    pltpu.sync_copy(er_hbm.at[0, wid], src_idx)
    pltpu.sync_copy(er_hbm.at[1, wid], dst_idx)

    for k in range(C // 16):
        ones[pl.ds(k * 16, 16)] = jnp.ones((16,), jnp.float32)

    plsc.subcore_barrier()

    def body(j, carry):
        pltpu.async_copy(h_hbm.at[src_idx.at[j]], rows, sem).wait()
        pltpu.sync_copy(rows, agg_s.at[dst_idx.at[j]], add=True)
        pltpu.sync_copy(ones, deg_s.at[dst_idx.at[j]], add=True)
        return carry

    lax.fori_loop(0, NCHUNK, body, 0)

    plsc.subcore_barrier()

    pltpu.sync_copy(agg_s.at[pl.ds(sid * RPT, RPT)],
                    agg_out.at[cid, pl.ds(sid * RPT, RPT)])
    pltpu.sync_copy(deg_s.at[pl.ds(sid * RPT, RPT)],
                    deg_out.at[cid, pl.ds(sid * RPT, RPT)])


_sc_agg = pl.kernel(
    _sc_agg_body,
    out_type=(
        jax.ShapeDtypeStruct((NC, NP, H), jnp.float32),
        jax.ShapeDtypeStruct((NC, NP), jnp.float32),
    ),
    mesh=_mesh,
    scratch_types=[
        pltpu.VMEM((NCHUNK, C), jnp.int32),
        pltpu.VMEM((NCHUNK, C), jnp.int32),
        pltpu.VMEM((C, H), jnp.float32),
        pltpu.VMEM((C,), jnp.float32),
        pltpu.VMEM_SHARED((NP, H), jnp.float32),
        pltpu.VMEM_SHARED((NP,), jnp.float32),
        pltpu.SemaphoreType.DMA,
    ],
)


def _sc_pair_body(h_hbm, pidx_hbm, out_hbm, idx_v, rows, sem):
    cid = lax.axis_index("c")
    sid = lax.axis_index("s")
    wid = sid * NC + cid
    pltpu.sync_copy(pidx_hbm.at[wid], idx_v)
    for j in range(2):
        pltpu.async_copy(h_hbm.at[idx_v.at[j]], rows, sem).wait()
        pltpu.sync_copy(rows, out_hbm.at[pl.ds(wid * 256 + j * 128, 128)])


_sc_pair = pl.kernel(
    _sc_pair_body,
    out_type=jax.ShapeDtypeStruct((2 * B, H), jnp.float32),
    mesh=_mesh,
    scratch_types=[
        pltpu.VMEM((2, 128), jnp.int32),
        pltpu.VMEM((128, H), jnp.float32),
        pltpu.SemaphoreType.DMA,
    ],
)


def _tc_layer_body(agg, invd, h, wl, bl, wr, out, *, relu):
    mean = (agg[0] + agg[1]) * invd[...]
    z = (jnp.dot(mean, wl[...], preferred_element_type=jnp.float32)
         + jnp.dot(h[...], wr[...], preferred_element_type=jnp.float32)
         + bl[...])
    out[...] = jnp.maximum(z, 0.0) if relu else z


def _tc_layer(agg, invd, h, wl, bl, wr, relu):
    rb = 512
    grid = NP // rb
    return pl.pallas_call(
        functools.partial(_tc_layer_body, relu=relu),
        grid=(grid,),
        in_specs=[
            pl.BlockSpec((NC, rb, H), lambda i: (0, i, 0)),
            pl.BlockSpec((rb, H), lambda i: (i, 0)),
            pl.BlockSpec((rb, H), lambda i: (i, 0)),
            pl.BlockSpec((H, H), lambda i: (0, 0)),
            pl.BlockSpec((1, H), lambda i: (0, 0)),
            pl.BlockSpec((H, H), lambda i: (0, 0)),
        ],
        out_specs=pl.BlockSpec((rb, H), lambda i: (i, 0)),
        out_shape=jax.ShapeDtypeStruct((NP, H), jnp.float32),
    )(agg, invd, h, wl, bl, wr)


def _tc_mlp_body(se, te, ef, wew, web, w1a, w1b, w1c, b1, g1s, be1,
                 w2, b2, w3, b3, out):
    ep = jnp.maximum(
        jnp.dot(ef[...], wew[...], preferred_element_type=jnp.float32)
        + web[...], 0.0)
    z = (jnp.dot(se[...], w1a[...], preferred_element_type=jnp.float32)
         + jnp.dot(te[...], w1b[...], preferred_element_type=jnp.float32)
         + jnp.dot(ep, w1c[...], preferred_element_type=jnp.float32)
         + b1[...])
    z = jnp.maximum(z, 0.0) * g1s[...] + be1[...]
    z = jnp.maximum(
        jnp.dot(z, w2[...], preferred_element_type=jnp.float32) + b2[...],
        0.0)
    o = jnp.dot(z, w3[...], preferred_element_type=jnp.float32) + b3[...]
    out[...] = jax.nn.sigmoid(o)


def _tc_mlp(pe, efp, wewp, web, w1a, w1b, w1c, b1, g1s, be1, w2p, b2p,
            w3p, b3):
    rb = 512
    grid = B // rb
    full = lambda r, c: pl.BlockSpec((r, c), lambda i: (0, 0))
    return pl.pallas_call(
        _tc_mlp_body,
        grid=(grid,),
        in_specs=[
            pl.BlockSpec((rb, H), lambda i: (i, 0)),
            pl.BlockSpec((rb, H), lambda i: (i + B // rb, 0)),
            pl.BlockSpec((rb, 128), lambda i: (i, 0)),
            full(128, 64),
            full(1, 64),
            full(H, H),
            full(H, H),
            full(64, H),
            full(1, H),
            full(1, H),
            full(1, H),
            full(H, 128),
            full(1, 128),
            full(128, 1),
            full(1, 1),
        ],
        out_specs=pl.BlockSpec((rb, 1), lambda i: (i, 0)),
        out_shape=jax.ShapeDtypeStruct((B, 1), jnp.float32),
    )(pe, pe, efp, wewp, web, w1a, w1b, w1c, b1, g1s, be1, w2p, b2p,
      w3p, b3)


def kernel(x, edge_index, src_nodes, tgt_nodes, edge_features, Wl0, bl0,
           Wr0, Wl1, bl1, Wr1, We_w, We_b, W1, b1, g1, be1, W2, b2, W3,
           b3):
    er = edge_index.reshape(2, NW, NCHUNK, C)
    xp = jnp.pad(x, ((0, NP - N), (0, 0)))
    z2 = jnp.zeros((NP, H), jnp.float32)
    z1 = jnp.zeros((NP,), jnp.float32)

    agg0, deg = _sc_agg(xp, er, z2, z1)
    invd = jnp.broadcast_to(
        (1.0 / jnp.maximum(deg[0] + deg[1], 1.0))[:, None], (NP, H))
    h1 = _tc_layer(agg0, invd, xp, Wl0, bl0.reshape(1, H), Wr0, True)

    agg1, _ = _sc_agg(h1, er, z2, z1)
    h2 = _tc_layer(agg1, invd, h1, Wl1, bl1.reshape(1, H), Wr1, False)

    pidx = jnp.concatenate([src_nodes, tgt_nodes]).reshape(NW, 2, 128)
    pe = _sc_pair(h2, pidx)

    efp = jnp.pad(edge_features, ((0, 0), (0, 128 - edge_features.shape[1])))
    wewp = jnp.pad(We_w, ((0, 128 - We_w.shape[0]), (0, 0)))
    w1a, w1b, w1c = W1[:H], W1[H:2 * H], W1[2 * H:]
    g1s = (g1 / jnp.sqrt(1.0 + 1e-5)).reshape(1, H)
    w2p = jnp.pad(W2, ((0, 0), (0, 128 - W2.shape[1])))
    b2p = jnp.pad(b2, (0, 128 - b2.shape[0])).reshape(1, 128)
    w3p = jnp.pad(W3, ((0, 128 - W3.shape[0]), (0, 0)))

    return _tc_mlp(pe, efp, wewp, We_b.reshape(1, 64), w1a, w1b, w1c,
                   b1.reshape(1, H), g1s, be1.reshape(1, H), w2p, b2p,
                   w3p, b3.reshape(1, 1))

# --- scband reference (transcript-rebuilt; emitter-appended) ---
"""Pipeline reference for scband-graph-sagecitation-model-1803886264537 (READ-ONLY COPY).

The authoritative reference and input builder live on the scoring server;
editing this copy changes nothing except your own understanding.
"""

import jax, jax.numpy as jnp
import numpy as np

N = 10000
E = 320000
D = 128
H = 128
B = 4096
EF = 6

def setup_inputs(seed: int = 0):
    key = jax.random.key(seed)
    ks = jax.random.split(key, 32)
    p = lambda i, shape: jax.random.normal(ks[i], shape, dtype=jnp.float32) * 0.05
    inp = {}
    inp["x"] = jax.random.normal(ks[0], (N, D), dtype=jnp.float32)
    inp["edge_index"] = jax.random.randint(ks[1], (2, E), 0, N, dtype=jnp.int32)
    inp["src_nodes"] = jax.random.randint(ks[2], (B,), 0, N, dtype=jnp.int32)
    inp["tgt_nodes"] = jax.random.randint(ks[3], (B,), 0, N, dtype=jnp.int32)
    inp["edge_features"] = jax.random.normal(ks[4], (B, EF), dtype=jnp.float32)
    inp["Wl0"] = p(5, (D, H)); inp["bl0"] = jnp.zeros((H,), jnp.float32); inp["Wr0"] = p(6, (D, H))
    inp["Wl1"] = p(7, (H, H)); inp["bl1"] = jnp.zeros((H,), jnp.float32); inp["Wr1"] = p(8, (H, H))
    inp["We_w"] = p(9, (EF, H // 2)); inp["We_b"] = jnp.zeros((H // 2,), jnp.float32)
    inp["W1"] = p(10, (2 * H + H // 2, H)); inp["b1"] = jnp.zeros((H,), jnp.float32)
    inp["g1"] = jnp.ones((H,), jnp.float32); inp["be1"] = jnp.zeros((H,), jnp.float32)
    inp["W2"] = p(11, (H, H // 2)); inp["b2"] = jnp.zeros((H // 2,), jnp.float32)
    inp["W3"] = p(12, (H // 2, 1)); inp["b3"] = jnp.zeros((1,), jnp.float32)
    return inp

def _sage_conv(h, src, dst, Wl, bl, Wr):
    # PyG-style SAGEConv with mean aggregation: lin_l(mean_{j in N(i)} x_j) + lin_r(x_i)
    msgs = jnp.take(h, src, axis=0)
    agg = jax.ops.segment_sum(msgs, dst, num_segments=N)
    deg = jax.ops.segment_sum(jnp.ones((src.shape[0],), jnp.float32), dst, num_segments=N)
    mean = agg / jnp.clip(deg, 1.0)[:, None]
    return mean @ Wl + bl + h @ Wr

def reference(x, edge_index, src_nodes, tgt_nodes, edge_features, Wl0, bl0, Wr0, Wl1, bl1, Wr1, We_w, We_b, W1, b1, g1, be1, W2, b2, W3, b3):
    src, dst = edge_index[0], edge_index[1]
    h = _sage_conv(x, src, dst, Wl0, bl0, Wr0)
    h = jax.nn.relu(h)  # dropout is identity in eval mode
    h = _sage_conv(h, src, dst, Wl1, bl1, Wr1)
    src_emb = jnp.take(h, src_nodes, axis=0)
    tgt_emb = jnp.take(h, tgt_nodes, axis=0)
    ep = jax.nn.relu(edge_features @ We_w + We_b)
    comb = jnp.concatenate([src_emb, tgt_emb, ep], axis=1)
    z = jax.nn.relu(comb @ W1 + b1)
    # BatchNorm1d in eval mode with running stats (mean=0, var=1)
    z = g1 * z / jnp.sqrt(1.0 + 1e-5) + be1
    z = jax.nn.relu(z @ W2 + b2)
    z = z @ W3 + b3
    return jax.nn.sigmoid(z)

if __name__ == "__main__":
    import jax
    _d = setup_inputs()
    print(jax.jit(kernel)(*tuple(_d.values())))

</pallas_src>

<mosaic_0001>
#map = affine_map<(d0, d1) -> (0, 0)>
#map1 = affine_map<(d0, d1) -> (0, 0, 0, 0)>
#map2 = affine_map<(d0, d1) -> (0)>
#map3 = affine_map<(d0, d1) -> (0, 0, 0)>
module attributes {stable_mosaic.version = 14 : i64} {
  func.func @_sc_agg_body(%arg0: i32, %arg1: i32, %arg2: memref<10240x128xf32, #tpu.memory_space<hbm>>, %arg3: memref<2x32x125x80xi32, #tpu.memory_space<hbm>>, %arg4: memref<10240x128xf32, #tpu.memory_space<hbm>>, %arg5: memref<10240xf32, #tpu.memory_space<hbm>>, %arg6: memref<2x10240x128xf32, #tpu.memory_space<hbm>>, %arg7: memref<2x10240xf32, #tpu.memory_space<hbm>>, %arg8: memref<125x80xi32, #tpu.memory_space<vmem>>, %arg9: memref<125x80xi32, #tpu.memory_space<vmem>>, %arg10: memref<80x128xf32, #tpu.memory_space<vmem>>, %arg11: memref<80xf32, #tpu.memory_space<vmem>>, %arg12: memref<10240x128xf32, #tpu.memory_space<vmem_shared>>, %arg13: memref<10240xf32, #tpu.memory_space<vmem_shared>>, %arg14: memref<!tpu.dma_semaphore, #tpu.memory_space<semaphore_mem>>) attributes {dimension_semantics = [#tpu.dimension_semantics<core_parallel>, #tpu.dimension_semantics<subcore_parallel>], iteration_bounds = array<i64: 2, 16>, scalar_prefetch = 0 : i64, scratch_operands = 7 : i64, tpu.core_type = #tpu.core_type<sc_vector_subcore>, window_params = [{transform_indices = #map}, {transform_indices = #map1}, {transform_indices = #map}, {transform_indices = #map2}, {transform_indices = #map3}, {transform_indices = #map}]} {
    %mul3A = arith.constant 2 : i32
    %mul3A_0 = arith.muli %arg1, %mul3A : i32
    %add3A = arith.addi %mul3A_0, %arg0 : i32
    %mul3A_1 = arith.constant 640 : i32
    %mul3A_2 = arith.muli %arg1, %mul3A_1 : i32
    %mul3A_3 = arith.constant 640 : i32
    %mul3A_4 = arith.muli %arg1, %mul3A_3 : i32
    "tpu.region"() ({
      %run_scoped3A_52 = tpu.sem_alloc : memref<!tpu.dma_semaphore, #tpu.memory_space<semaphore_mem>>
      %dma_start3A = arith.constant 0 : i32
      %dma_start3A_53 = tpu.memref_slice %arg12[%mul3A_4, %dma_start3A] : memref<10240x128xf32, #tpu.memory_space<vmem_shared>> -> memref<640x128xf32, #tpu.memory_space<vmem_shared>>
      %dma_start3A_54 = arith.constant 0 : i32
      %dma_start3A_55 = tpu.memref_slice %arg4[%mul3A_2, %dma_start3A_54] : memref<10240x128xf32, #tpu.memory_space<hbm>> -> memref<640x128xf32, #tpu.memory_space<hbm>>
      tpu.enqueue_dma source(%dma_start3A_55 : memref<640x128xf32, #tpu.memory_space<hbm>>) target(%dma_start3A_53 : memref<640x128xf32, #tpu.memory_space<vmem_shared>>) target_semaphore(%run_scoped3A_52 : memref<!tpu.dma_semaphore, #tpu.memory_space<semaphore_mem>>)
      %dma_wait3A = arith.constant 0 : i32
      %dma_wait3A_56 = tpu.memref_slice %arg12[%mul3A_4, %dma_wait3A] : memref<10240x128xf32, #tpu.memory_space<vmem_shared>> -> memref<640x128xf32, #tpu.memory_space<vmem_shared>>
      %dma_wait3A_57 = arith.constant 0 : i32
      %dma_wait3A_58 = tpu.memref_slice %arg4[%mul3A_2, %dma_wait3A_57] : memref<10240x128xf32, #tpu.memory_space<hbm>> -> memref<640x128xf32, #tpu.memory_space<hbm>>
      tpu.wait_dma2 semaphore(%run_scoped3A_52 : memref<!tpu.dma_semaphore, #tpu.memory_space<semaphore_mem>>) src(%dma_wait3A_58 : memref<640x128xf32, #tpu.memory_space<hbm>>) dst(%dma_wait3A_56 : memref<640x128xf32, #tpu.memory_space<vmem_shared>>)
      tpu.yield
    }) : () -> ()
    %mul3A_5 = arith.constant 640 : i32
    %mul3A_6 = arith.muli %arg1, %mul3A_5 : i32
    %mul3A_7 = arith.constant 640 : i32
    %mul3A_8 = arith.muli %arg1, %mul3A_7 : i32
    "tpu.region"() ({
      %run_scoped3A_52 = tpu.sem_alloc : memref<!tpu.dma_semaphore, #tpu.memory_space<semaphore_mem>>
      %dma_start3A = tpu.memref_slice %arg13[%mul3A_8] : memref<10240xf32, #tpu.memory_space<vmem_shared>> -> memref<640xf32, #tpu.memory_space<vmem_shared>>
      %dma_start3A_53 = tpu.memref_slice %arg5[%mul3A_6] : memref<10240xf32, #tpu.memory_space<hbm>> -> memref<640xf32, #tpu.memory_space<hbm>>
      tpu.enqueue_dma source(%dma_start3A_53 : memref<640xf32, #tpu.memory_space<hbm>>) target(%dma_start3A : memref<640xf32, #tpu.memory_space<vmem_shared>>) target_semaphore(%run_scoped3A_52 : memref<!tpu.dma_semaphore, #tpu.memory_space<semaphore_mem>>)
      %dma_wait3A = tpu.memref_slice %arg13[%mul3A_8] : memref<10240xf32, #tpu.memory_space<vmem_shared>> -> memref<640xf32, #tpu.memory_space<vmem_shared>>
      %dma_wait3A_54 = tpu.memref_slice %arg5[%mul3A_6] : memref<10240xf32, #tpu.memory_space<hbm>> -> memref<640xf32, #tpu.memory_space<hbm>>
      tpu.wait_dma2 semaphore(%run_scoped3A_52 : memref<!tpu.dma_semaphore, #tpu.memory_space<semaphore_mem>>) src(%dma_wait3A_54 : memref<640xf32, #tpu.memory_space<hbm>>) dst(%dma_wait3A : memref<640xf32, #tpu.memory_space<vmem_shared>>)
      tpu.yield
    }) : () -> ()
    %run_scoped3A = arith.constant 0 : i32
    "tpu.region"() ({
      %run_scoped3A_52 = tpu.sem_alloc : memref<!tpu.dma_semaphore, #tpu.memory_space<semaphore_mem>>
      %dma_start3A = arith.constant 0 : i32
      %dma_start3A_53 = arith.constant 0 : i32
      %dma_start3A_54 = tpu.memref_slice %arg3[%run_scoped3A, %add3A, %dma_start3A, %dma_start3A_53] : memref<2x32x125x80xi32, #tpu.memory_space<hbm>> -> memref<1x1x125x80xi32, #tpu.memory_space<hbm>>
      %dma_start3A_55 = tpu.memref_squeeze %dma_start3A_54 : memref<1x1x125x80xi32, #tpu.memory_space<hbm>> -> memref<125x80xi32, #tpu.memory_space<hbm>>
      %dma_start3A_56 = arith.constant 0 : i32
      %dma_start3A_57 = arith.constant 0 : i32
      %dma_start3A_58 = tpu.memref_slice %arg3[%run_scoped3A, %add3A, %dma_start3A_56, %dma_start3A_57] : memref<2x32x125x80xi32, #tpu.memory_space<hbm>> -> memref<1x1x125x80xi32, #tpu.memory_space<hbm>>
      %dma_start3A_59 = tpu.memref_squeeze %dma_start3A_58 : memref<1x1x125x80xi32, #tpu.memory_space<hbm>> -> memref<125x80xi32, #tpu.memory_space<hbm>>
      tpu.enqueue_dma source(%dma_start3A_59 : memref<125x80xi32, #tpu.memory_space<hbm>>) target(%arg8 : memref<125x80xi32, #tpu.memory_space<vmem>>) target_semaphore(%run_scoped3A_52 : memref<!tpu.dma_semaphore, #tpu.memory_space<semaphore_mem>>)
      %dma_wait3A = arith.constant 0 : i32
      %dma_wait3A_60 = arith.constant 0 : i32
      %dma_wait3A_61 = tpu.memref_slice %arg3[%run_scoped3A, %add3A, %dma_wait3A, %dma_wait3A_60] : memref<2x32x125x80xi32, #tpu.memory_space<hbm>> -> memref<1x1x125x80xi32, #tpu.memory_space<hbm>>
      %dma_wait3A_62 = tpu.memref_squeeze %dma_wait3A_61 : memref<1x1x125x80xi32, #tpu.memory_space<hbm>> -> memref<125x80xi32, #tpu.memory_space<hbm>>
      %dma_wait3A_63 = arith.constant 0 : i32
      %dma_wait3A_64 = arith.constant 0 : i32
      %dma_wait3A_65 = tpu.memref_slice %arg3[%run_scoped3A, %add3A, %dma_wait3A_63, %dma_wait3A_64] : memref<2x32x125x80xi32, #tpu.memory_space<hbm>> -> memref<1x1x125x80xi32, #tpu.memory_space<hbm>>
      %dma_wait3A_66 = tpu.memref_squeeze %dma_wait3A_65 : memref<1x1x125x80xi32, #tpu.memory_space<hbm>> -> memref<125x80xi32, #tpu.memory_space<hbm>>
      tpu.wait_dma2 semaphore(%run_scoped3A_52 : memref<!tpu.dma_semaphore, #tpu.memory_space<semaphore_mem>>) src(%dma_wait3A_66 : memref<125x80xi32, #tpu.memory_space<hbm>>) dst(%arg8 : memref<125x80xi32, #tpu.memory_space<vmem>>)
      tpu.yield
    }) : () -> ()
    %run_scoped3A_9 = arith.constant 1 : i32
    "tpu.region"() ({
      %run_scoped3A_52 = tpu.sem_alloc : memref<!tpu.dma_semaphore, #tpu.memory_space<semaphore_mem>>
      %dma_start3A = arith.constant 0 : i32
      %dma_start3A_53 = arith.constant 0 : i32
      %dma_start3A_54 = tpu.memref_slice %arg3[%run_scoped3A_9, %add3A, %dma_start3A, %dma_start3A_53] : memref<2x32x125x80xi32, #tpu.memory_space<hbm>> -> memref<1x1x125x80xi32, #tpu.memory_space<hbm>>
      %dma_start3A_55 = tpu.memref_squeeze %dma_start3A_54 : memref<1x1x125x80xi32, #tpu.memory_space<hbm>> -> memref<125x80xi32, #tpu.memory_space<hbm>>
      %dma_start3A_56 = arith.constant 0 : i32
      %dma_start3A_57 = arith.constant 0 : i32
      %dma_start3A_58 = tpu.memref_slice %arg3[%run_scoped3A_9, %add3A, %dma_start3A_56, %dma_start3A_57] : memref<2x32x125x80xi32, #tpu.memory_space<hbm>> -> memref<1x1x125x80xi32, #tpu.memory_space<hbm>>
      %dma_start3A_59 = tpu.memref_squeeze %dma_start3A_58 : memref<1x1x125x80xi32, #tpu.memory_space<hbm>> -> memref<125x80xi32, #tpu.memory_space<hbm>>
      tpu.enqueue_dma source(%dma_start3A_59 : memref<125x80xi32, #tpu.memory_space<hbm>>) target(%arg9 : memref<125x80xi32, #tpu.memory_space<vmem>>) target_semaphore(%run_scoped3A_52 : memref<!tpu.dma_semaphore, #tpu.memory_space<semaphore_mem>>)
      %dma_wait3A = arith.constant 0 : i32
      %dma_wait3A_60 = arith.constant 0 : i32
      %dma_wait3A_61 = tpu.memref_slice %arg3[%run_scoped3A_9, %add3A, %dma_wait3A, %dma_wait3A_60] : memref<2x32x125x80xi32, #tpu.memory_space<hbm>> -> memref<1x1x125x80xi32, #tpu.memory_space<hbm>>
      %dma_wait3A_62 = tpu.memref_squeeze %dma_wait3A_61 : memref<1x1x125x80xi32, #tpu.memory_space<hbm>> -> memref<125x80xi32, #tpu.memory_space<hbm>>
      %dma_wait3A_63 = arith.constant 0 : i32
      %dma_wait3A_64 = arith.constant 0 : i32
      %dma_wait3A_65 = tpu.memref_slice %arg3[%run_scoped3A_9, %add3A, %dma_wait3A_63, %dma_wait3A_64] : memref<2x32x125x80xi32, #tpu.memory_space<hbm>> -> memref<1x1x125x80xi32, #tpu.memory_space<hbm>>
      %dma_wait3A_66 = tpu.memref_squeeze %dma_wait3A_65 : memref<1x1x125x80xi32, #tpu.memory_space<hbm>> -> memref<125x80xi32, #tpu.memory_space<hbm>>
      tpu.wait_dma2 semaphore(%run_scoped3A_52 : memref<!tpu.dma_semaphore, #tpu.memory_space<semaphore_mem>>) src(%dma_wait3A_66 : memref<125x80xi32, #tpu.memory_space<hbm>>) dst(%arg9 : memref<125x80xi32, #tpu.memory_space<vmem>>)
      tpu.yield
    }) : () -> ()
    %broadcast_in_dim3A = arith.constant 1.000000e+00 : f32
    %broadcast_in_dim3A_10 = vector.broadcast %broadcast_in_dim3A : f32 to vector<16xf32>
    %swap3A = arith.constant 0 : index
    %swap3A_11 = tpu.vector_load %arg11[%swap3A] {strides = array<i32>} : memref<80xf32, #tpu.memory_space<vmem>>, vector<16xf32>,
    %swap3A_12 = vector.shape_cast %swap3A_11 : vector<16xf32> to vector<16xf32>
    %swap3A_13 = vector.shape_cast %broadcast_in_dim3A_10 : vector<16xf32> to vector<16xf32>
    tpu.vector_store %arg11[%swap3A], %swap3A_13 {strides = array<i32>} : memref<80xf32, #tpu.memory_space<vmem>>, vector<16xf32>,
    %broadcast_in_dim3A_14 = arith.constant 1.000000e+00 : f32
    %broadcast_in_dim3A_15 = vector.broadcast %broadcast_in_dim3A_14 : f32 to vector<16xf32>
    %swap3A_16 = arith.constant 16 : index
    %swap3A_17 = tpu.vector_load %arg11[%swap3A_16] {strides = array<i32>} : memref<80xf32, #tpu.memory_space<vmem>>, vector<16xf32>,
    %swap3A_18 = vector.shape_cast %swap3A_17 : vector<16xf32> to vector<16xf32>
    %swap3A_19 = vector.shape_cast %broadcast_in_dim3A_15 : vector<16xf32> to vector<16xf32>
    tpu.vector_store %arg11[%swap3A_16], %swap3A_19 {strides = array<i32>} : memref<80xf32, #tpu.memory_space<vmem>>, vector<16xf32>,
    %broadcast_in_dim3A_20 = arith.constant 1.000000e+00 : f32
    %broadcast_in_dim3A_21 = vector.broadcast %broadcast_in_dim3A_20 : f32 to vector<16xf32>
    %swap3A_22 = arith.constant 32 : index
    %swap3A_23 = tpu.vector_load %arg11[%swap3A_22] {strides = array<i32>} : memref<80xf32, #tpu.memory_space<vmem>>, vector<16xf32>,
    %swap3A_24 = vector.shape_cast %swap3A_23 : vector<16xf32> to vector<16xf32>
    %swap3A_25 = vector.shape_cast %broadcast_in_dim3A_21 : vector<16xf32> to vector<16xf32>
    tpu.vector_store %arg11[%swap3A_22], %swap3A_25 {strides = array<i32>} : memref<80xf32, #tpu.memory_space<vmem>>, vector<16xf32>,
    %broadcast_in_dim3A_26 = arith.constant 1.000000e+00 : f32
    %broadcast_in_dim3A_27 = vector.broadcast %broadcast_in_dim3A_26 : f32 to vector<16xf32>
    %swap3A_28 = arith.constant 48 : index
    %swap3A_29 = tpu.vector_load %arg11[%swap3A_28] {strides = array<i32>} : memref<80xf32, #tpu.memory_space<vmem>>, vector<16xf32>,
    %swap3A_30 = vector.shape_cast %swap3A_29 : vector<16xf32> to vector<16xf32>
    %swap3A_31 = vector.shape_cast %broadcast_in_dim3A_27 : vector<16xf32> to vector<16xf32>
    tpu.vector_store %arg11[%swap3A_28], %swap3A_31 {strides = array<i32>} : memref<80xf32, #tpu.memory_space<vmem>>, vector<16xf32>,
    %broadcast_in_dim3A_32 = arith.constant 1.000000e+00 : f32
    %broadcast_in_dim3A_33 = vector.broadcast %broadcast_in_dim3A_32 : f32 to vector<16xf32>
    %swap3A_34 = arith.constant 64 : index
    %swap3A_35 = tpu.vector_load %arg11[%swap3A_34] {strides = array<i32>} : memref<80xf32, #tpu.memory_space<vmem>>, vector<16xf32>,
    %swap3A_36 = vector.shape_cast %swap3A_35 : vector<16xf32> to vector<16xf32>
    %swap3A_37 = vector.shape_cast %broadcast_in_dim3A_33 : vector<16xf32> to vector<16xf32>
    tpu.vector_store %arg11[%swap3A_34], %swap3A_37 {strides = array<i32>} : memref<80xf32, #tpu.memory_space<vmem>>, vector<16xf32>,
    %barrier3A = arith.constant 0 : index
    tpu.barrier barrier_id(%barrier3A)
    %scan3A = arith.constant 0 : i32
    %scan3A_38 = arith.constant 0 : i32
    %scan3A_39 = arith.constant 125 : i32
    %scan3A_40 = arith.addi %scan3A_38, %scan3A_39 : i32
    %scan3A_41 = arith.constant 1 : i32
    scf.for %scan3A_52 = %scan3A_38 to %scan3A_40 step %scan3A_41  : i32 {
      %dma_start3A = arith.constant 0 : i32
      %dma_start3A_53 = tpu.memref_slice %arg8[%scan3A_52, %dma_start3A] : memref<125x80xi32, #tpu.memory_space<vmem>> -> memref<1x80xi32, #tpu.memory_space<vmem>>
      %dma_start3A_54 = tpu.memref_squeeze %dma_start3A_53 : memref<1x80xi32, #tpu.memory_space<vmem>> -> memref<80xi32, #tpu.memory_space<vmem>>
      %dma_start3A_55 = arith.constant 0 : i32
      %dma_start3A_56 = arith.constant 0 : i32
      %dma_start3A_57 = tpu.memref_slice %arg2[%dma_start3A_55, %dma_start3A_56] : memref<10240x128xf32, #tpu.memory_space<hbm>> -> memref<10240x128xf32, #tpu.memory_space<hbm>>
      tpu.enqueue_indirect_dma source(%dma_start3A_57 : memref<10240x128xf32, #tpu.memory_space<hbm>>) target(%arg10 : memref<80x128xf32, #tpu.memory_space<vmem>>) offsets(%dma_start3A_54 : memref<80xi32, #tpu.memory_space<vmem>>) semaphore(%arg14 : memref<!tpu.dma_semaphore, #tpu.memory_space<semaphore_mem>>)
      %dma_wait3A = arith.constant 0 : i32
      %dma_wait3A_58 = tpu.memref_slice %arg8[%scan3A_52, %dma_wait3A] : memref<125x80xi32, #tpu.memory_space<vmem>> -> memref<1x80xi32, #tpu.memory_space<vmem>>
      %dma_wait3A_59 = tpu.memref_squeeze %dma_wait3A_58 : memref<1x80xi32, #tpu.memory_space<vmem>> -> memref<80xi32, #tpu.memory_space<vmem>>
      %dma_wait3A_60 = arith.constant 0 : i32
      %dma_wait3A_61 = arith.constant 0 : i32
      %dma_wait3A_62 = tpu.memref_slice %arg2[%dma_wait3A_60, %dma_wait3A_61] : memref<10240x128xf32, #tpu.memory_space<hbm>> -> memref<10240x128xf32, #tpu.memory_space<hbm>>
      tpu.wait_indirect_dma semaphore(%arg14 : memref<!tpu.dma_semaphore, #tpu.memory_space<semaphore_mem>>) src(%dma_wait3A_62 : memref<10240x128xf32, #tpu.memory_space<hbm>>) dst(%arg10 : memref<80x128xf32, #tpu.memory_space<vmem>>)
      "tpu.region"() ({
        %run_scoped3A_63 = tpu.sem_alloc : memref<!tpu.dma_semaphore, #tpu.memory_space<semaphore_mem>>
        %dma_start3A_64 = arith.constant 0 : i32
        %dma_start3A_65 = tpu.memref_slice %arg9[%scan3A_52, %dma_start3A_64] : memref<125x80xi32, #tpu.memory_space<vmem>> -> memref<1x80xi32, #tpu.memory_space<vmem>>
        %dma_start3A_66 = tpu.memref_squeeze %dma_start3A_65 : memref<1x80xi32, #tpu.memory_space<vmem>> -> memref<80xi32, #tpu.memory_space<vmem>>
        %dma_start3A_67 = arith.constant 0 : i32
        %dma_start3A_68 = arith.constant 0 : i32
        %dma_start3A_69 = tpu.memref_slice %arg12[%dma_start3A_67, %dma_start3A_68] : memref<10240x128xf32, #tpu.memory_space<vmem_shared>> -> memref<10240x128xf32, #tpu.memory_space<vmem_shared>>
        tpu.enqueue_indirect_dma source(%arg10 : memref<80x128xf32, #tpu.memory_space<vmem>>) target(%dma_start3A_69 : memref<10240x128xf32, #tpu.memory_space<vmem_shared>>) offsets(%dma_start3A_66 : memref<80xi32, #tpu.memory_space<vmem>>) semaphore(%run_scoped3A_63 : memref<!tpu.dma_semaphore, #tpu.memory_space<semaphore_mem>>) {add = true}
        %dma_wait3A_70 = arith.constant 0 : i32
        %dma_wait3A_71 = tpu.memref_slice %arg9[%scan3A_52, %dma_wait3A_70] : memref<125x80xi32, #tpu.memory_space<vmem>> -> memref<1x80xi32, #tpu.memory_space<vmem>>
        %dma_wait3A_72 = tpu.memref_squeeze %dma_wait3A_71 : memref<1x80xi32, #tpu.memory_space<vmem>> -> memref<80xi32, #tpu.memory_space<vmem>>
        %dma_wait3A_73 = arith.constant 0 : i32
        %dma_wait3A_74 = arith.constant 0 : i32
        %dma_wait3A_75 = tpu.memref_slice %arg12[%dma_wait3A_73, %dma_wait3A_74] : memref<10240x128xf32, #tpu.memory_space<vmem_shared>> -> memref<10240x128xf32, #tpu.memory_space<vmem_shared>>
        tpu.wait_indirect_dma semaphore(%run_scoped3A_63 : memref<!tpu.dma_semaphore, #tpu.memory_space<semaphore_mem>>) src(%arg10 : memref<80x128xf32, #tpu.memory_space<vmem>>) dst(%dma_wait3A_75 : memref<10240x128xf32, #tpu.memory_space<vmem_shared>>)
        tpu.yield
      }) : () -> ()
      "tpu.region"() ({
        %run_scoped3A_63 = tpu.sem_alloc : memref<!tpu.dma_semaphore, #tpu.memory_space<semaphore_mem>>
        %dma_start3A_64 = arith.constant 0 : i32
        %dma_start3A_65 = tpu.memref_slice %arg9[%scan3A_52, %dma_start3A_64] : memref<125x80xi32, #tpu.memory_space<vmem>> -> memref<1x80xi32, #tpu.memory_space<vmem>>
        %dma_start3A_66 = tpu.memref_squeeze %dma_start3A_65 : memref<1x80xi32, #tpu.memory_space<vmem>> -> memref<80xi32, #tpu.memory_space<vmem>>
        %dma_start3A_67 = arith.constant 0 : i32
        %dma_start3A_68 = tpu.memref_slice %arg13[%dma_start3A_67] : memref<10240xf32, #tpu.memory_space<vmem_shared>> -> memref<10240xf32, #tpu.memory_space<vmem_shared>>
        tpu.enqueue_indirect_dma source(%arg11 : memref<80xf32, #tpu.memory_space<vmem>>) target(%dma_start3A_68 : memref<10240xf32, #tpu.memory_space<vmem_shared>>) offsets(%dma_start3A_66 : memref<80xi32, #tpu.memory_space<vmem>>) semaphore(%run_scoped3A_63 : memref<!tpu.dma_semaphore, #tpu.memory_space<semaphore_mem>>) {add = true}
        %dma_wait3A_69 = arith.constant 0 : i32
        %dma_wait3A_70 = tpu.memref_slice %arg9[%scan3A_52, %dma_wait3A_69] : memref<125x80xi32, #tpu.memory_space<vmem>> -> memref<1x80xi32, #tpu.memory_space<vmem>>
        %dma_wait3A_71 = tpu.memref_squeeze %dma_wait3A_70 : memref<1x80xi32, #tpu.memory_space<vmem>> -> memref<80xi32, #tpu.memory_space<vmem>>
        %dma_wait3A_72 = arith.constant 0 : i32
        %dma_wait3A_73 = tpu.memref_slice %arg13[%dma_wait3A_72] : memref<10240xf32, #tpu.memory_space<vmem_shared>> -> memref<10240xf32, #tpu.memory_space<vmem_shared>>
        tpu.wait_indirect_dma semaphore(%run_scoped3A_63 : memref<!tpu.dma_semaphore, #tpu.memory_space<semaphore_mem>>) src(%arg11 : memref<80xf32, #tpu.memory_space<vmem>>) dst(%dma_wait3A_73 : memref<10240xf32, #tpu.memory_space<vmem_shared>>)
        tpu.yield
      }) : () -> ()
    }
    %scan3A_42 = arith.constant 125 : i32
    %barrier3A_43 = arith.constant 0 : index
    tpu.barrier barrier_id(%barrier3A_43)
    %mul3A_44 = arith.constant 640 : i32
    %mul3A_45 = arith.muli %arg1, %mul3A_44 : i32
    %mul3A_46 = arith.constant 640 : i32
    %mul3A_47 = arith.muli %arg1, %mul3A_46 : i32
    "tpu.region"() ({
      %run_scoped3A_52 = tpu.sem_alloc : memref<!tpu.dma_semaphore, #tpu.memory_space<semaphore_mem>>
      %dma_start3A = arith.constant 0 : i32
      %dma_start3A_53 = tpu.memref_slice %arg6[%arg0, %mul3A_47, %dma_start3A] : memref<2x10240x128xf32, #tpu.memory_space<hbm>> -> memref<1x640x128xf32, #tpu.memory_space<hbm>>
      %dma_start3A_54 = tpu.memref_squeeze %dma_start3A_53 : memref<1x640x128xf32, #tpu.memory_space<hbm>> -> memref<640x128xf32, #tpu.memory_space<hbm>>
      %dma_start3A_55 = arith.constant 0 : i32
      %dma_start3A_56 = tpu.memref_slice %arg12[%mul3A_45, %dma_start3A_55] : memref<10240x128xf32, #tpu.memory_space<vmem_shared>> -> memref<640x128xf32, #tpu.memory_space<vmem_shared>>
      tpu.enqueue_dma source(%dma_start3A_56 : memref<640x128xf32, #tpu.memory_space<vmem_shared>>) target(%dma_start3A_54 : memref<640x128xf32, #tpu.memory_space<hbm>>) target_semaphore(%run_scoped3A_52 : memref<!tpu.dma_semaphore, #tpu.memory_space<semaphore_mem>>)
      %dma_wait3A = arith.constant 0 : i32
      %dma_wait3A_57 = tpu.memref_slice %arg6[%arg0, %mul3A_47, %dma_wait3A] : memref<2x10240x128xf32, #tpu.memory_space<hbm>> -> memref<1x640x128xf32, #tpu.memory_space<hbm>>
      %dma_wait3A_58 = tpu.memref_squeeze %dma_wait3A_57 : memref<1x640x128xf32, #tpu.memory_space<hbm>> -> memref<640x128xf32, #tpu.memory_space<hbm>>
      %dma_wait3A_59 = arith.constant 0 : i32
      %dma_wait3A_60 = tpu.memref_slice %arg12[%mul3A_45, %dma_wait3A_59] : memref<10240x128xf32, #tpu.memory_space<vmem_shared>> -> memref<640x128xf32, #tpu.memory_space<vmem_shared>>
      tpu.wait_dma2 semaphore(%run_scoped3A_52 : memref<!tpu.dma_semaphore, #tpu.memory_space<semaphore_mem>>) src(%dma_wait3A_60 : memref<640x128xf32, #tpu.memory_space<vmem_shared>>) dst(%dma_wait3A_58 : memref<640x128xf32, #tpu.memory_space<hbm>>)
      tpu.yield
    }) : () -> ()
    %mul3A_48 = arith.constant 640 : i32
    %mul3A_49 = arith.muli %arg1, %mul3A_48 : i32
    %mul3A_50 = arith.constant 640 : i32
    %mul3A_51 = arith.muli %arg1, %mul3A_50 : i32
    "tpu.region"() ({
      %run_scoped3A_52 = tpu.sem_alloc : memref<!tpu.dma_semaphore, #tpu.memory_space<semaphore_mem>>
      %dma_start3A = tpu.memref_slice %arg7[%arg0, %mul3A_51] : memref<2x10240xf32, #tpu.memory_space<hbm>> -> memref<1x640xf32, #tpu.memory_space<hbm>>
      %dma_start3A_53 = tpu.memref_squeeze %dma_start3A : memref<1x640xf32, #tpu.memory_space<hbm>> -> memref<640xf32, #tpu.memory_space<hbm>>
      %dma_start3A_54 = tpu.memref_slice %arg13[%mul3A_49] : memref<10240xf32, #tpu.memory_space<vmem_shared>> -> memref<640xf32, #tpu.memory_space<vmem_shared>>
      tpu.enqueue_dma source(%dma_start3A_54 : memref<640xf32, #tpu.memory_space<vmem_shared>>) target(%dma_start3A_53 : memref<640xf32, #tpu.memory_space<hbm>>) target_semaphore(%run_scoped3A_52 : memref<!tpu.dma_semaphore, #tpu.memory_space<semaphore_mem>>)
      %dma_wait3A = tpu.memref_slice %arg7[%arg0, %mul3A_51] : memref<2x10240xf32, #tpu.memory_space<hbm>> -> memref<1x640xf32, #tpu.memory_space<hbm>>
      %dma_wait3A_55 = tpu.memref_squeeze %dma_wait3A : memref<1x640xf32, #tpu.memory_space<hbm>> -> memref<640xf32, #tpu.memory_space<hbm>>
      %dma_wait3A_56 = tpu.memref_slice %arg13[%mul3A_49] : memref<10240xf32, #tpu.memory_space<vmem_shared>> -> memref<640xf32, #tpu.memory_space<vmem_shared>>
      tpu.wait_dma2 semaphore(%run_scoped3A_52 : memref<!tpu.dma_semaphore, #tpu.memory_space<semaphore_mem>>) src(%dma_wait3A_56 : memref<640xf32, #tpu.memory_space<vmem_shared>>) dst(%dma_wait3A_55 : memref<640xf32, #tpu.memory_space<hbm>>)
      tpu.yield
    }) : () -> ()
    return
  }
}

#map = affine_map<(d0, d1) -> (0, 0)>
#map1 = affine_map<(d0, d1) -> (0, 0, 0, 0)>
#map2 = affine_map<(d0, d1) -> (0)>
#map3 = affine_map<(d0, d1) -> (0, 0, 0)>
module attributes {stable_mosaic.version = 14 : i64} {
  func.func @_sc_agg_body(%arg0: i32, %arg1: i32, %arg2: memref<10240x128xf32, #tpu.memory_space<hbm>>, %arg3: memref<2x32x125x80xi32, #tpu.memory_space<hbm>>, %arg4: memref<10240x128xf32, #tpu.memory_space<hbm>>, %arg5: memref<10240xf32, #tpu.memory_space<hbm>>, %arg6: memref<2x10240x128xf32, #tpu.memory_space<hbm>>, %arg7: memref<2x10240xf32, #tpu.memory_space<hbm>>, %arg8: memref<125x80xi32, #tpu.memory_space<vmem>>, %arg9: memref<125x80xi32, #tpu.memory_space<vmem>>, %arg10: memref<80x128xf32, #tpu.memory_space<vmem>>, %arg11: memref<80xf32, #tpu.memory_space<vmem>>, %arg12: memref<10240x128xf32, #tpu.memory_space<vmem_shared>>, %arg13: memref<10240xf32, #tpu.memory_space<vmem_shared>>, %arg14: memref<!tpu.dma_semaphore, #tpu.memory_space<semaphore_mem>>) attributes {dimension_semantics = [#tpu.dimension_semantics<core_parallel>, #tpu.dimension_semantics<subcore_parallel>], iteration_bounds = array<i64: 2, 16>, scalar_prefetch = 0 : i64, scratch_operands = 7 : i64, tpu.core_type = #tpu.core_type<sc_vector_subcore>, window_params = [{transform_indices = #map}, {transform_indices = #map1}, {transform_indices = #map}, {transform_indices = #map2}, {transform_indices = #map3}, {transform_indices = #map}]} {
    %mul3A = arith.constant 2 : i32
    %mul3A_0 = arith.muli %arg1, %mul3A : i32
    %add3A = arith.addi %mul3A_0, %arg0 : i32
    %mul3A_1 = arith.constant 640 : i32
    %mul3A_2 = arith.muli %arg1, %mul3A_1 : i32
    %mul3A_3 = arith.constant 640 : i32
    %mul3A_4 = arith.muli %arg1, %mul3A_3 : i32
    "tpu.region"() ({
      %run_scoped3A_52 = tpu.sem_alloc : memref<!tpu.dma_semaphore, #tpu.memory_space<semaphore_mem>>
      %dma_start3A = arith.constant 0 : i32
      %dma_start3A_53 = tpu.memref_slice %arg12[%mul3A_4, %dma_start3A] : memref<10240x128xf32, #tpu.memory_space<vmem_shared>> -> memref<640x128xf32, #tpu.memory_space<vmem_shared>>
      %dma_start3A_54 = arith.constant 0 : i32
      %dma_start3A_55 = tpu.memref_slice %arg4[%mul3A_2, %dma_start3A_54] : memref<10240x128xf32, #tpu.memory_space<hbm>> -> memref<640x128xf32, #tpu.memory_space<hbm>>
      tpu.enqueue_dma source(%dma_start3A_55 : memref<640x128xf32, #tpu.memory_space<hbm>>) target(%dma_start3A_53 : memref<640x128xf32, #tpu.memory_space<vmem_shared>>) target_semaphore(%run_scoped3A_52 : memref<!tpu.dma_semaphore, #tpu.memory_space<semaphore_mem>>)
      %dma_wait3A = arith.constant 0 : i32
      %dma_wait3A_56 = tpu.memref_slice %arg12[%mul3A_4, %dma_wait3A] : memref<10240x128xf32, #tpu.memory_space<vmem_shared>> -> memref<640x128xf32, #tpu.memory_space<vmem_shared>>
      %dma_wait3A_57 = arith.constant 0 : i32
      %dma_wait3A_58 = tpu.memref_slice %arg4[%mul3A_2, %dma_wait3A_57] : memref<10240x128xf32, #tpu.memory_space<hbm>> -> memref<640x128xf32, #tpu.memory_space<hbm>>
      tpu.wait_dma2 semaphore(%run_scoped3A_52 : memref<!tpu.dma_semaphore, #tpu.memory_space<semaphore_mem>>) src(%dma_wait3A_58 : memref<640x128xf32, #tpu.memory_space<hbm>>) dst(%dma_wait3A_56 : memref<640x128xf32, #tpu.memory_space<vmem_shared>>)
      tpu.yield
    }) : () -> ()
    %mul3A_5 = arith.constant 640 : i32
    %mul3A_6 = arith.muli %arg1, %mul3A_5 : i32
    %mul3A_7 = arith.constant 640 : i32
    %mul3A_8 = arith.muli %arg1, %mul3A_7 : i32
    "tpu.region"() ({
      %run_scoped3A_52 = tpu.sem_alloc : memref<!tpu.dma_semaphore, #tpu.memory_space<semaphore_mem>>
      %dma_start3A = tpu.memref_slice %arg13[%mul3A_8] : memref<10240xf32, #tpu.memory_space<vmem_shared>> -> memref<640xf32, #tpu.memory_space<vmem_shared>>
      %dma_start3A_53 = tpu.memref_slice %arg5[%mul3A_6] : memref<10240xf32, #tpu.memory_space<hbm>> -> memref<640xf32, #tpu.memory_space<hbm>>
      tpu.enqueue_dma source(%dma_start3A_53 : memref<640xf32, #tpu.memory_space<hbm>>) target(%dma_start3A : memref<640xf32, #tpu.memory_space<vmem_shared>>) target_semaphore(%run_scoped3A_52 : memref<!tpu.dma_semaphore, #tpu.memory_space<semaphore_mem>>)
      %dma_wait3A = tpu.memref_slice %arg13[%mul3A_8] : memref<10240xf32, #tpu.memory_space<vmem_shared>> -> memref<640xf32, #tpu.memory_space<vmem_shared>>
      %dma_wait3A_54 = tpu.memref_slice %arg5[%mul3A_6] : memref<10240xf32, #tpu.memory_space<hbm>> -> memref<640xf32, #tpu.memory_space<hbm>>
      tpu.wait_dma2 semaphore(%run_scoped3A_52 : memref<!tpu.dma_semaphore, #tpu.memory_space<semaphore_mem>>) src(%dma_wait3A_54 : memref<640xf32, #tpu.memory_space<hbm>>) dst(%dma_wait3A : memref<640xf32, #tpu.memory_space<vmem_shared>>)
      tpu.yield
    }) : () -> ()
    %run_scoped3A = arith.constant 0 : i32
    "tpu.region"() ({
      %run_scoped3A_52 = tpu.sem_alloc : memref<!tpu.dma_semaphore, #tpu.memory_space<semaphore_mem>>
      %dma_start3A = arith.constant 0 : i32
      %dma_start3A_53 = arith.constant 0 : i32
      %dma_start3A_54 = tpu.memref_slice %arg3[%run_scoped3A, %add3A, %dma_start3A, %dma_start3A_53] : memref<2x32x125x80xi32, #tpu.memory_space<hbm>> -> memref<1x1x125x80xi32, #tpu.memory_space<hbm>>
      %dma_start3A_55 = tpu.memref_squeeze %dma_start3A_54 : memref<1x1x125x80xi32, #tpu.memory_space<hbm>> -> memref<125x80xi32, #tpu.memory_space<hbm>>
      %dma_start3A_56 = arith.constant 0 : i32
      %dma_start3A_57 = arith.constant 0 : i32
      %dma_start3A_58 = tpu.memref_slice %arg3[%run_scoped3A, %add3A, %dma_start3A_56, %dma_start3A_57] : memref<2x32x125x80xi32, #tpu.memory_space<hbm>> -> memref<1x1x125x80xi32, #tpu.memory_space<hbm>>
      %dma_start3A_59 = tpu.memref_squeeze %dma_start3A_58 : memref<1x1x125x80xi32, #tpu.memory_space<hbm>> -> memref<125x80xi32, #tpu.memory_space<hbm>>
      tpu.enqueue_dma source(%dma_start3A_59 : memref<125x80xi32, #tpu.memory_space<hbm>>) target(%arg8 : memref<125x80xi32, #tpu.memory_space<vmem>>) target_semaphore(%run_scoped3A_52 : memref<!tpu.dma_semaphore, #tpu.memory_space<semaphore_mem>>)
      %dma_wait3A = arith.constant 0 : i32
      %dma_wait3A_60 = arith.constant 0 : i32
      %dma_wait3A_61 = tpu.memref_slice %arg3[%run_scoped3A, %add3A, %dma_wait3A, %dma_wait3A_60] : memref<2x32x125x80xi32, #tpu.memory_space<hbm>> -> memref<1x1x125x80xi32, #tpu.memory_space<hbm>>
      %dma_wait3A_62 = tpu.memref_squeeze %dma_wait3A_61 : memref<1x1x125x80xi32, #tpu.memory_space<hbm>> -> memref<125x80xi32, #tpu.memory_space<hbm>>
      %dma_wait3A_63 = arith.constant 0 : i32
      %dma_wait3A_64 = arith.constant 0 : i32
      %dma_wait3A_65 = tpu.memref_slice %arg3[%run_scoped3A, %add3A, %dma_wait3A_63, %dma_wait3A_64] : memref<2x32x125x80xi32, #tpu.memory_space<hbm>> -> memref<1x1x125x80xi32, #tpu.memory_space<hbm>>
      %dma_wait3A_66 = tpu.memref_squeeze %dma_wait3A_65 : memref<1x1x125x80xi32, #tpu.memory_space<hbm>> -> memref<125x80xi32, #tpu.memory_space<hbm>>
      tpu.wait_dma2 semaphore(%run_scoped3A_52 : memref<!tpu.dma_semaphore, #tpu.memory_space<semaphore_mem>>) src(%dma_wait3A_66 : memref<125x80xi32, #tpu.memory_space<hbm>>) dst(%arg8 : memref<125x80xi32, #tpu.memory_space<vmem>>)
      tpu.yield
    }) : () -> ()
    %run_scoped3A_9 = arith.constant 1 : i32
    "tpu.region"() ({
      %run_scoped3A_52 = tpu.sem_alloc : memref<!tpu.dma_semaphore, #tpu.memory_space<semaphore_mem>>
      %dma_start3A = arith.constant 0 : i32
      %dma_start3A_53 = arith.constant 0 : i32
      %dma_start3A_54 = tpu.memref_slice %arg3[%run_scoped3A_9, %add3A, %dma_start3A, %dma_start3A_53] : memref<2x32x125x80xi32, #tpu.memory_space<hbm>> -> memref<1x1x125x80xi32, #tpu.memory_space<hbm>>
      %dma_start3A_55 = tpu.memref_squeeze %dma_start3A_54 : memref<1x1x125x80xi32, #tpu.memory_space<hbm>> -> memref<125x80xi32, #tpu.memory_space<hbm>>
      %dma_start3A_56 = arith.constant 0 : i32
      %dma_start3A_57 = arith.constant 0 : i32
      %dma_start3A_58 = tpu.memref_slice %arg3[%run_scoped3A_9, %add3A, %dma_start3A_56, %dma_start3A_57] : memref<2x32x125x80xi32, #tpu.memory_space<hbm>> -> memref<1x1x125x80xi32, #tpu.memory_space<hbm>>
      %dma_start3A_59 = tpu.memref_squeeze %dma_start3A_58 : memref<1x1x125x80xi32, #tpu.memory_space<hbm>> -> memref<125x80xi32, #tpu.memory_space<hbm>>
      tpu.enqueue_dma source(%dma_start3A_59 : memref<125x80xi32, #tpu.memory_space<hbm>>) target(%arg9 : memref<125x80xi32, #tpu.memory_space<vmem>>) target_semaphore(%run_scoped3A_52 : memref<!tpu.dma_semaphore, #tpu.memory_space<semaphore_mem>>)
      %dma_wait3A = arith.constant 0 : i32
      %dma_wait3A_60 = arith.constant 0 : i32
      %dma_wait3A_61 = tpu.memref_slice %arg3[%run_scoped3A_9, %add3A, %dma_wait3A, %dma_wait3A_60] : memref<2x32x125x80xi32, #tpu.memory_space<hbm>> -> memref<1x1x125x80xi32, #tpu.memory_space<hbm>>
      %dma_wait3A_62 = tpu.memref_squeeze %dma_wait3A_61 : memref<1x1x125x80xi32, #tpu.memory_space<hbm>> -> memref<125x80xi32, #tpu.memory_space<hbm>>
      %dma_wait3A_63 = arith.constant 0 : i32
      %dma_wait3A_64 = arith.constant 0 : i32
      %dma_wait3A_65 = tpu.memref_slice %arg3[%run_scoped3A_9, %add3A, %dma_wait3A_63, %dma_wait3A_64] : memref<2x32x125x80xi32, #tpu.memory_space<hbm>> -> memref<1x1x125x80xi32, #tpu.memory_space<hbm>>
      %dma_wait3A_66 = tpu.memref_squeeze %dma_wait3A_65 : memref<1x1x125x80xi32, #tpu.memory_space<hbm>> -> memref<125x80xi32, #tpu.memory_space<hbm>>
      tpu.wait_dma2 semaphore(%run_scoped3A_52 : memref<!tpu.dma_semaphore, #tpu.memory_space<semaphore_mem>>) src(%dma_wait3A_66 : memref<125x80xi32, #tpu.memory_space<hbm>>) dst(%arg9 : memref<125x80xi32, #tpu.memory_space<vmem>>)
      tpu.yield
    }) : () -> ()
    %broadcast_in_dim3A = arith.constant 1.000000e+00 : f32
    %broadcast_in_dim3A_10 = vector.broadcast %broadcast_in_dim3A : f32 to vector<16xf32>
    %swap3A = arith.constant 0 : index
    %swap3A_11 = tpu.vector_load %arg11[%swap3A] {strides = array<i32>} : memref<80xf32, #tpu.memory_space<vmem>>, vector<16xf32>,
    %swap3A_12 = vector.shape_cast %swap3A_11 : vector<16xf32> to vector<16xf32>
    %swap3A_13 = vector.shape_cast %broadcast_in_dim3A_10 : vector<16xf32> to vector<16xf32>
    tpu.vector_store %arg11[%swap3A], %swap3A_13 {strides = array<i32>} : memref<80xf32, #tpu.memory_space<vmem>>, vector<16xf32>,
    %broadcast_in_dim3A_14 = arith.constant 1.000000e+00 : f32
    %broadcast_in_dim3A_15 = vector.broadcast %broadcast_in_dim3A_14 : f32 to vector<16xf32>
    %swap3A_16 = arith.constant 16 : index
    %swap3A_17 = tpu.vector_load %arg11[%swap3A_16] {strides = array<i32>} : memref<80xf32, #tpu.memory_space<vmem>>, vector<16xf32>,
    %swap3A_18 = vector.shape_cast %swap3A_17 : vector<16xf32> to vector<16xf32>
    %swap3A_19 = vector.shape_cast %broadcast_in_dim3A_15 : vector<16xf32> to vector<16xf32>
    tpu.vector_store %arg11[%swap3A_16], %swap3A_19 {strides = array<i32>} : memref<80xf32, #tpu.memory_space<vmem>>, vector<16xf32>,
    %broadcast_in_dim3A_20 = arith.constant 1.000000e+00 : f32
    %broadcast_in_dim3A_21 = vector.broadcast %broadcast_in_dim3A_20 : f32 to vector<16xf32>
    %swap3A_22 = arith.constant 32 : index
    %swap3A_23 = tpu.vector_load %arg11[%swap3A_22] {strides = array<i32>} : memref<80xf32, #tpu.memory_space<vmem>>, vector<16xf32>,
    %swap3A_24 = vector.shape_cast %swap3A_23 : vector<16xf32> to vector<16xf32>
    %swap3A_25 = vector.shape_cast %broadcast_in_dim3A_21 : vector<16xf32> to vector<16xf32>
    tpu.vector_store %arg11[%swap3A_22], %swap3A_25 {strides = array<i32>} : memref<80xf32, #tpu.memory_space<vmem>>, vector<16xf32>,
    %broadcast_in_dim3A_26 = arith.constant 1.000000e+00 : f32
    %broadcast_in_dim3A_27 = vector.broadcast %broadcast_in_dim3A_26 : f32 to vector<16xf32>
    %swap3A_28 = arith.constant 48 : index
    %swap3A_29 = tpu.vector_load %arg11[%swap3A_28] {strides = array<i32>} : memref<80xf32, #tpu.memory_space<vmem>>, vector<16xf32>,
    %swap3A_30 = vector.shape_cast %swap3A_29 : vector<16xf32> to vector<16xf32>
    %swap3A_31 = vector.shape_cast %broadcast_in_dim3A_27 : vector<16xf32> to vector<16xf32>
    tpu.vector_store %arg11[%swap3A_28], %swap3A_31 {strides = array<i32>} : memref<80xf32, #tpu.memory_space<vmem>>, vector<16xf32>,
    %broadcast_in_dim3A_32 = arith.constant 1.000000e+00 : f32
    %broadcast_in_dim3A_33 = vector.broadcast %broadcast_in_dim3A_32 : f32 to vector<16xf32>
    %swap3A_34 = arith.constant 64 : index
    %swap3A_35 = tpu.vector_load %arg11[%swap3A_34] {strides = array<i32>} : memref<80xf32, #tpu.memory_space<vmem>>, vector<16xf32>,
    %swap3A_36 = vector.shape_cast %swap3A_35 : vector<16xf32> to vector<16xf32>
    %swap3A_37 = vector.shape_cast %broadcast_in_dim3A_33 : vector<16xf32> to vector<16xf32>
    tpu.vector_store %arg11[%swap3A_34], %swap3A_37 {strides = array<i32>} : memref<80xf32, #tpu.memory_space<vmem>>, vector<16xf32>,
    %barrier3A = arith.constant 0 : index
    tpu.barrier barrier_id(%barrier3A)
    %scan3A = arith.constant 0 : i32
    %scan3A_38 = arith.constant 0 : i32
    %scan3A_39 = arith.constant 125 : i32
    %scan3A_40 = arith.addi %scan3A_38, %scan3A_39 : i32
    %scan3A_41 = arith.constant 1 : i32
    scf.for %scan3A_52 = %scan3A_38 to %scan3A_40 step %scan3A_41  : i32 {
      %dma_start3A = arith.constant 0 : i32
      %dma_start3A_53 = tpu.memref_slice %arg8[%scan3A_52, %dma_start3A] : memref<125x80xi32, #tpu.memory_space<vmem>> -> memref<1x80xi32, #tpu.memory_space<vmem>>
      %dma_start3A_54 = tpu.memref_squeeze %dma_start3A_53 : memref<1x80xi32, #tpu.memory_space<vmem>> -> memref<80xi32, #tpu.memory_space<vmem>>
      %dma_start3A_55 = arith.constant 0 : i32
      %dma_start3A_56 = arith.constant 0 : i32
      %dma_start3A_57 = tpu.memref_slice %arg2[%dma_start3A_55, %dma_start3A_56] : memref<10240x128xf32, #tpu.memory_space<hbm>> -> memref<10240x128xf32, #tpu.memory_space<hbm>>
      tpu.enqueue_indirect_dma source(%dma_start3A_57 : memref<10240x128xf32, #tpu.memory_space<hbm>>) target(%arg10 : memref<80x128xf32, #tpu.memory_space<vmem>>) offsets(%dma_start3A_54 : memref<80xi32, #tpu.memory_space<vmem>>) semaphore(%arg14 : memref<!tpu.dma_semaphore, #tpu.memory_space<semaphore_mem>>)
      %dma_wait3A = arith.constant 0 : i32
      %dma_wait3A_58 = tpu.memref_slice %arg8[%scan3A_52, %dma_wait3A] : memref<125x80xi32, #tpu.memory_space<vmem>> -> memref<1x80xi32, #tpu.memory_space<vmem>>
      %dma_wait3A_59 = tpu.memref_squeeze %dma_wait3A_58 : memref<1x80xi32, #tpu.memory_space<vmem>> -> memref<80xi32, #tpu.memory_space<vmem>>
      %dma_wait3A_60 = arith.constant 0 : i32
      %dma_wait3A_61 = arith.constant 0 : i32
      %dma_wait3A_62 = tpu.memref_slice %arg2[%dma_wait3A_60, %dma_wait3A_61] : memref<10240x128xf32, #tpu.memory_space<hbm>> -> memref<10240x128xf32, #tpu.memory_space<hbm>>
      tpu.wait_indirect_dma semaphore(%arg14 : memref<!tpu.dma_semaphore, #tpu.memory_space<semaphore_mem>>) src(%dma_wait3A_62 : memref<10240x128xf32, #tpu.memory_space<hbm>>) dst(%arg10 : memref<80x128xf32, #tpu.memory_space<vmem>>)
      "tpu.region"() ({
        %run_scoped3A_63 = tpu.sem_alloc : memref<!tpu.dma_semaphore, #tpu.memory_space<semaphore_mem>>
        %dma_start3A_64 = arith.constant 0 : i32
        %dma_start3A_65 = tpu.memref_slice %arg9[%scan3A_52, %dma_start3A_64] : memref<125x80xi32, #tpu.memory_space<vmem>> -> memref<1x80xi32, #tpu.memory_space<vmem>>
        %dma_start3A_66 = tpu.memref_squeeze %dma_start3A_65 : memref<1x80xi32, #tpu.memory_space<vmem>> -> memref<80xi32, #tpu.memory_space<vmem>>
        %dma_start3A_67 = arith.constant 0 : i32
        %dma_start3A_68 = arith.constant 0 : i32
        %dma_start3A_69 = tpu.memref_slice %arg12[%dma_start3A_67, %dma_start3A_68] : memref<10240x128xf32, #tpu.memory_space<vmem_shared>> -> memref<10240x128xf32, #tpu.memory_space<vmem_shared>>
        tpu.enqueue_indirect_dma source(%arg10 : memref<80x128xf32, #tpu.memory_space<vmem>>) target(%dma_start3A_69 : memref<10240x128xf32, #tpu.memory_space<vmem_shared>>) offsets(%dma_start3A_66 : memref<80xi32, #tpu.memory_space<vmem>>) semaphore(%run_scoped3A_63 : memref<!tpu.dma_semaphore, #tpu.memory_space<semaphore_mem>>) {add = true}
        %dma_wait3A_70 = arith.constant 0 : i32
        %dma_wait3A_71 = tpu.memref_slice %arg9[%scan3A_52, %dma_wait3A_70] : memref<125x80xi32, #tpu.memory_space<vmem>> -> memref<1x80xi32, #tpu.memory_space<vmem>>
        %dma_wait3A_72 = tpu.memref_squeeze %dma_wait3A_71 : memref<1x80xi32, #tpu.memory_space<vmem>> -> memref<80xi32, #tpu.memory_space<vmem>>
        %dma_wait3A_73 = arith.constant 0 : i32
        %dma_wait3A_74 = arith.constant 0 : i32
        %dma_wait3A_75 = tpu.memref_slice %arg12[%dma_wait3A_73, %dma_wait3A_74] : memref<10240x128xf32, #tpu.memory_space<vmem_shared>> -> memref<10240x128xf32, #tpu.memory_space<vmem_shared>>
        tpu.wait_indirect_dma semaphore(%run_scoped3A_63 : memref<!tpu.dma_semaphore, #tpu.memory_space<semaphore_mem>>) src(%arg10 : memref<80x128xf32, #tpu.memory_space<vmem>>) dst(%dma_wait3A_75 : memref<10240x128xf32, #tpu.memory_space<vmem_shared>>)
        tpu.yield
      }) : () -> ()
      "tpu.region"() ({
        %run_scoped3A_63 = tpu.sem_alloc : memref<!tpu.dma_semaphore, #tpu.memory_space<semaphore_mem>>
        %dma_start3A_64 = arith.constant 0 : i32
        %dma_start3A_65 = tpu.memref_slice %arg9[%scan3A_52, %dma_start3A_64] : memref<125x80xi32, #tpu.memory_space<vmem>> -> memref<1x80xi32, #tpu.memory_space<vmem>>
        %dma_start3A_66 = tpu.memref_squeeze %dma_start3A_65 : memref<1x80xi32, #tpu.memory_space<vmem>> -> memref<80xi32, #tpu.memory_space<vmem>>
        %dma_start3A_67 = arith.constant 0 : i32
        %dma_start3A_68 = tpu.memref_slice %arg13[%dma_start3A_67] : memref<10240xf32, #tpu.memory_space<vmem_shared>> -> memref<10240xf32, #tpu.memory_space<vmem_shared>>
        tpu.enqueue_indirect_dma source(%arg11 : memref<80xf32, #tpu.memory_space<vmem>>) target(%dma_start3A_68 : memref<10240xf32, #tpu.memory_space<vmem_shared>>) offsets(%dma_start3A_66 : memref<80xi32, #tpu.memory_space<vmem>>) semaphore(%run_scoped3A_63 : memref<!tpu.dma_semaphore, #tpu.memory_space<semaphore_mem>>) {add = true}
        %dma_wait3A_69 = arith.constant 0 : i32
        %dma_wait3A_70 = tpu.memref_slice %arg9[%scan3A_52, %dma_wait3A_69] : memref<125x80xi32, #tpu.memory_space<vmem>> -> memref<1x80xi32, #tpu.memory_space<vmem>>
        %dma_wait3A_71 = tpu.memref_squeeze %dma_wait3A_70 : memref<1x80xi32, #tpu.memory_space<vmem>> -> memref<80xi32, #tpu.memory_space<vmem>>
        %dma_wait3A_72 = arith.constant 0 : i32
        %dma_wait3A_73 = tpu.memref_slice %arg13[%dma_wait3A_72] : memref<10240xf32, #tpu.memory_space<vmem_shared>> -> memref<10240xf32, #tpu.memory_space<vmem_shared>>
        tpu.wait_indirect_dma semaphore(%run_scoped3A_63 : memref<!tpu.dma_semaphore, #tpu.memory_space<semaphore_mem>>) src(%arg11 : memref<80xf32, #tpu.memory_space<vmem>>) dst(%dma_wait3A_73 : memref<10240xf32, #tpu.memory_space<vmem_shared>>)
        tpu.yield
      }) : () -> ()
    }
    %scan3A_42 = arith.constant 125 : i32
    %barrier3A_43 = arith.constant 0 : index
    tpu.barrier barrier_id(%barrier3A_43)
    %mul3A_44 = arith.constant 640 : i32
    %mul3A_45 = arith.muli %arg1, %mul3A_44 : i32
    %mul3A_46 = arith.constant 640 : i32
    %mul3A_47 = arith.muli %arg1, %mul3A_46 : i32
    "tpu.region"() ({
      %run_scoped3A_52 = tpu.sem_alloc : memref<!tpu.dma_semaphore, #tpu.memory_space<semaphore_mem>>
      %dma_start3A = arith.constant 0 : i32
      %dma_start3A_53 = tpu.memref_slice %arg6[%arg0, %mul3A_47, %dma_start3A] : memref<2x10240x128xf32, #tpu.memory_space<hbm>> -> memref<1x640x128xf32, #tpu.memory_space<hbm>>
      %dma_start3A_54 = tpu.memref_squeeze %dma_start3A_53 : memref<1x640x128xf32, #tpu.memory_space<hbm>> -> memref<640x128xf32, #tpu.memory_space<hbm>>
      %dma_start3A_55 = arith.constant 0 : i32
      %dma_start3A_56 = tpu.memref_slice %arg12[%mul3A_45, %dma_start3A_55] : memref<10240x128xf32, #tpu.memory_space<vmem_shared>> -> memref<640x128xf32, #tpu.memory_space<vmem_shared>>
      tpu.enqueue_dma source(%dma_start3A_56 : memref<640x128xf32, #tpu.memory_space<vmem_shared>>) target(%dma_start3A_54 : memref<640x128xf32, #tpu.memory_space<hbm>>) target_semaphore(%run_scoped3A_52 : memref<!tpu.dma_semaphore, #tpu.memory_space<semaphore_mem>>)
      %dma_wait3A = arith.constant 0 : i32
      %dma_wait3A_57 = tpu.memref_slice %arg6[%arg0, %mul3A_47, %dma_wait3A] : memref<2x10240x128xf32, #tpu.memory_space<hbm>> -> memref<1x640x128xf32, #tpu.memory_space<hbm>>
      %dma_wait3A_58 = tpu.memref_squeeze %dma_wait3A_57 : memref<1x640x128xf32, #tpu.memory_space<hbm>> -> memref<640x128xf32, #tpu.memory_space<hbm>>
      %dma_wait3A_59 = arith.constant 0 : i32
      %dma_wait3A_60 = tpu.memref_slice %arg12[%mul3A_45, %dma_wait3A_59] : memref<10240x128xf32, #tpu.memory_space<vmem_shared>> -> memref<640x128xf32, #tpu.memory_space<vmem_shared>>
      tpu.wait_dma2 semaphore(%run_scoped3A_52 : memref<!tpu.dma_semaphore, #tpu.memory_space<semaphore_mem>>) src(%dma_wait3A_60 : memref<640x128xf32, #tpu.memory_space<vmem_shared>>) dst(%dma_wait3A_58 : memref<640x128xf32, #tpu.memory_space<hbm>>)
      tpu.yield
    }) : () -> ()
    %mul3A_48 = arith.constant 640 : i32
    %mul3A_49 = arith.muli %arg1, %mul3A_48 : i32
    %mul3A_50 = arith.constant 640 : i32
    %mul3A_51 = arith.muli %arg1, %mul3A_50 : i32
    "tpu.region"() ({
      %run_scoped3A_52 = tpu.sem_alloc : memref<!tpu.dma_semaphore, #tpu.memory_space<semaphore_mem>>
      %dma_start3A = tpu.memref_slice %arg7[%arg0, %mul3A_51] : memref<2x10240xf32, #tpu.memory_space<hbm>> -> memref<1x640xf32, #tpu.memory_space<hbm>>
      %dma_start3A_53 = tpu.memref_squeeze %dma_start3A : memref<1x640xf32, #tpu.memory_space<hbm>> -> memref<640xf32, #tpu.memory_space<hbm>>
      %dma_start3A_54 = tpu.memref_slice %arg13[%mul3A_49] : memref<10240xf32, #tpu.memory_space<vmem_shared>> -> memref<640xf32, #tpu.memory_space<vmem_shared>>
      tpu.enqueue_dma source(%dma_start3A_54 : memref<640xf32, #tpu.memory_space<vmem_shared>>) target(%dma_start3A_53 : memref<640xf32, #tpu.memory_space<hbm>>) target_semaphore(%run_scoped3A_52 : memref<!tpu.dma_semaphore, #tpu.memory_space<semaphore_mem>>)
      %dma_wait3A = tpu.memref_slice %arg7[%arg0, %mul3A_51] : memref<2x10240xf32, #tpu.memory_space<hbm>> -> memref<1x640xf32, #tpu.memory_space<hbm>>
      %dma_wait3A_55 = tpu.memref_squeeze %dma_wait3A : memref<1x640xf32, #tpu.memory_space<hbm>> -> memref<640xf32, #tpu.memory_space<hbm>>
      %dma_wait3A_56 = tpu.memref_slice %arg13[%mul3A_49] : memref<10240xf32, #tpu.memory_space<vmem_shared>> -> memref<640xf32, #tpu.memory_space<vmem_shared>>
      tpu.wait_dma2 semaphore(%run_scoped3A_52 : memref<!tpu.dma_semaphore, #tpu.memory_space<semaphore_mem>>) src(%dma_wait3A_56 : memref<640xf32, #tpu.memory_space<vmem_shared>>) dst(%dma_wait3A_55 : memref<640xf32, #tpu.memory_space<hbm>>)
      tpu.yield
    }) : () -> ()
    return
  }
}

#map = affine_map<(d0, d1) -> (0, 0)>
#map1 = affine_map<(d0, d1) -> (0, 0, 0)>
module attributes {stable_mosaic.version = 14 : i64} {
  func.func @_sc_pair_body(%arg0: i32, %arg1: i32, %arg2: memref<10240x128xf32, #tpu.memory_space<hbm>>, %arg3: memref<32x2x128xi32, #tpu.memory_space<hbm>>, %arg4: memref<8192x128xf32, #tpu.memory_space<hbm>>, %arg5: memref<2x128xi32, #tpu.memory_space<vmem>>, %arg6: memref<128x128xf32, #tpu.memory_space<vmem>>, %arg7: memref<!tpu.dma_semaphore, #tpu.memory_space<semaphore_mem>>) attributes {dimension_semantics = [#tpu.dimension_semantics<core_parallel>, #tpu.dimension_semantics<subcore_parallel>], iteration_bounds = array<i64: 2, 16>, scalar_prefetch = 0 : i64, scratch_operands = 3 : i64, tpu.core_type = #tpu.core_type<sc_vector_subcore>, window_params = [{transform_indices = #map}, {transform_indices = #map1}, {transform_indices = #map}]} {
    %mul3A = arith.constant 2 : i32
    %mul3A_0 = arith.muli %arg1, %mul3A : i32
    %add3A = arith.addi %mul3A_0, %arg0 : i32
    "tpu.region"() ({
      %run_scoped3A = tpu.sem_alloc : memref<!tpu.dma_semaphore, #tpu.memory_space<semaphore_mem>>
      %dma_start3A_35 = arith.constant 0 : i32
      %dma_start3A_36 = arith.constant 0 : i32
      %dma_start3A_37 = tpu.memref_slice %arg3[%add3A, %dma_start3A_35, %dma_start3A_36] : memref<32x2x128xi32, #tpu.memory_space<hbm>> -> memref<1x2x128xi32, #tpu.memory_space<hbm>>
      %dma_start3A_38 = tpu.memref_squeeze %dma_start3A_37 : memref<1x2x128xi32, #tpu.memory_space<hbm>> -> memref<2x128xi32, #tpu.memory_space<hbm>>
      %dma_start3A_39 = arith.constant 0 : i32
      %dma_start3A_40 = arith.constant 0 : i32
      %dma_start3A_41 = tpu.memref_slice %arg3[%add3A, %dma_start3A_39, %dma_start3A_40] : memref<32x2x128xi32, #tpu.memory_space<hbm>> -> memref<1x2x128xi32, #tpu.memory_space<hbm>>
      %dma_start3A_42 = tpu.memref_squeeze %dma_start3A_41 : memref<1x2x128xi32, #tpu.memory_space<hbm>> -> memref<2x128xi32, #tpu.memory_space<hbm>>
      tpu.enqueue_dma source(%dma_start3A_42 : memref<2x128xi32, #tpu.memory_space<hbm>>) target(%arg5 : memref<2x128xi32, #tpu.memory_space<vmem>>) target_semaphore(%run_scoped3A : memref<!tpu.dma_semaphore, #tpu.memory_space<semaphore_mem>>)
      %dma_wait3A_43 = arith.constant 0 : i32
      %dma_wait3A_44 = arith.constant 0 : i32
      %dma_wait3A_45 = tpu.memref_slice %arg3[%add3A, %dma_wait3A_43, %dma_wait3A_44] : memref<32x2x128xi32, #tpu.memory_space<hbm>> -> memref<1x2x128xi32, #tpu.memory_space<hbm>>
      %dma_wait3A_46 = tpu.memref_squeeze %dma_wait3A_45 : memref<1x2x128xi32, #tpu.memory_space<hbm>> -> memref<2x128xi32, #tpu.memory_space<hbm>>
      %dma_wait3A_47 = arith.constant 0 : i32
      %dma_wait3A_48 = arith.constant 0 : i32
      %dma_wait3A_49 = tpu.memref_slice %arg3[%add3A, %dma_wait3A_47, %dma_wait3A_48] : memref<32x2x128xi32, #tpu.memory_space<hbm>> -> memref<1x2x128xi32, #tpu.memory_space<hbm>>
      %dma_wait3A_50 = tpu.memref_squeeze %dma_wait3A_49 : memref<1x2x128xi32, #tpu.memory_space<hbm>> -> memref<2x128xi32, #tpu.memory_space<hbm>>
      tpu.wait_dma2 semaphore(%run_scoped3A : memref<!tpu.dma_semaphore, #tpu.memory_space<semaphore_mem>>) src(%dma_wait3A_50 : memref<2x128xi32, #tpu.memory_space<hbm>>) dst(%arg5 : memref<2x128xi32, #tpu.memory_space<vmem>>)
      tpu.yield
    }) : () -> ()
    %dma_start3A = arith.constant 0 : i32
    %dma_start3A_1 = arith.constant 0 : i32
    %dma_start3A_2 = tpu.memref_slice %arg5[%dma_start3A, %dma_start3A_1] : memref<2x128xi32, #tpu.memory_space<vmem>> -> memref<1x128xi32, #tpu.memory_space<vmem>>
    %dma_start3A_3 = tpu.memref_squeeze %dma_start3A_2 : memref<1x128xi32, #tpu.memory_space<vmem>> -> memref<128xi32, #tpu.memory_space<vmem>>
    %dma_start3A_4 = arith.constant 0 : i32
    %dma_start3A_5 = arith.constant 0 : i32
    %dma_start3A_6 = tpu.memref_slice %arg2[%dma_start3A_4, %dma_start3A_5] : memref<10240x128xf32, #tpu.memory_space<hbm>> -> memref<10240x128xf32, #tpu.memory_space<hbm>>
    tpu.enqueue_indirect_dma source(%dma_start3A_6 : memref<10240x128xf32, #tpu.memory_space<hbm>>) target(%arg6 : memref<128x128xf32, #tpu.memory_space<vmem>>) offsets(%dma_start3A_3 : memref<128xi32, #tpu.memory_space<vmem>>) semaphore(%arg7 : memref<!tpu.dma_semaphore, #tpu.memory_space<semaphore_mem>>)
    %dma_wait3A = arith.constant 0 : i32
    %dma_wait3A_7 = arith.constant 0 : i32
    %dma_wait3A_8 = tpu.memref_slice %arg5[%dma_wait3A, %dma_wait3A_7] : memref<2x128xi32, #tpu.memory_space<vmem>> -> memref<1x128xi32, #tpu.memory_space<vmem>>
    %dma_wait3A_9 = tpu.memref_squeeze %dma_wait3A_8 : memref<1x128xi32, #tpu.memory_space<vmem>> -> memref<128xi32, #tpu.memory_space<vmem>>
    %dma_wait3A_10 = arith.constant 0 : i32
    %dma_wait3A_11 = arith.constant 0 : i32
    %dma_wait3A_12 = tpu.memref_slice %arg2[%dma_wait3A_10, %dma_wait3A_11] : memref<10240x128xf32, #tpu.memory_space<hbm>> -> memref<10240x128xf32, #tpu.memory_space<hbm>>
    tpu.wait_indirect_dma semaphore(%arg7 : memref<!tpu.dma_semaphore, #tpu.memory_space<semaphore_mem>>) src(%dma_wait3A_12 : memref<10240x128xf32, #tpu.memory_space<hbm>>) dst(%arg6 : memref<128x128xf32, #tpu.memory_space<vmem>>)
    %mul3A_13 = arith.constant 256 : i32
    %mul3A_14 = arith.muli %add3A, %mul3A_13 : i32
    %add3A_15 = arith.constant 0 : i32
    %add3A_16 = arith.addi %mul3A_14, %add3A_15 : i32
    "tpu.region"() ({
      %run_scoped3A = tpu.sem_alloc : memref<!tpu.dma_semaphore, #tpu.memory_space<semaphore_mem>>
      %dma_start3A_35 = arith.constant 0 : i32
      %dma_start3A_36 = tpu.memref_slice %arg4[%add3A_16, %dma_start3A_35] : memref<8192x128xf32, #tpu.memory_space<hbm>> -> memref<128x128xf32, #tpu.memory_space<hbm>>
      %dma_start3A_37 = arith.constant 0 : i32
      %dma_start3A_38 = tpu.memref_slice %arg4[%add3A_16, %dma_start3A_37] : memref<8192x128xf32, #tpu.memory_space<hbm>> -> memref<128x128xf32, #tpu.memory_space<hbm>>
      tpu.enqueue_dma source(%arg6 : memref<128x128xf32, #tpu.memory_space<vmem>>) target(%dma_start3A_38 : memref<128x128xf32, #tpu.memory_space<hbm>>) target_semaphore(%run_scoped3A : memref<!tpu.dma_semaphore, #tpu.memory_space<semaphore_mem>>)
      %dma_wait3A_39 = arith.constant 0 : i32
      %dma_wait3A_40 = tpu.memref_slice %arg4[%add3A_16, %dma_wait3A_39] : memref<8192x128xf32, #tpu.memory_space<hbm>> -> memref<128x128xf32, #tpu.memory_space<hbm>>
      %dma_wait3A_41 = arith.constant 0 : i32
      %dma_wait3A_42 = tpu.memref_slice %arg4[%add3A_16, %dma_wait3A_41] : memref<8192x128xf32, #tpu.memory_space<hbm>> -> memref<128x128xf32, #tpu.memory_space<hbm>>
      tpu.wait_dma2 semaphore(%run_scoped3A : memref<!tpu.dma_semaphore, #tpu.memory_space<semaphore_mem>>) src(%arg6 : memref<128x128xf32, #tpu.memory_space<vmem>>) dst(%dma_wait3A_42 : memref<128x128xf32, #tpu.memory_space<hbm>>)
      tpu.yield
    }) : () -> ()
    %dma_start3A_17 = arith.constant 1 : i32
    %dma_start3A_18 = arith.constant 0 : i32
    %dma_start3A_19 = tpu.memref_slice %arg5[%dma_start3A_17, %dma_start3A_18] : memref<2x128xi32, #tpu.memory_space<vmem>> -> memref<1x128xi32, #tpu.memory_space<vmem>>
    %dma_start3A_20 = tpu.memref_squeeze %dma_start3A_19 : memref<1x128xi32, #tpu.memory_space<vmem>> -> memref<128xi32, #tpu.memory_space<vmem>>
    %dma_start3A_21 = arith.constant 0 : i32
    %dma_start3A_22 = arith.constant 0 : i32
    %dma_start3A_23 = tpu.memref_slice %arg2[%dma_start3A_21, %dma_start3A_22] : memref<10240x128xf32, #tpu.memory_space<hbm>> -> memref<10240x128xf32, #tpu.memory_space<hbm>>
    tpu.enqueue_indirect_dma source(%dma_start3A_23 : memref<10240x128xf32, #tpu.memory_space<hbm>>) target(%arg6 : memref<128x128xf32, #tpu.memory_space<vmem>>) offsets(%dma_start3A_20 : memref<128xi32, #tpu.memory_space<vmem>>) semaphore(%arg7 : memref<!tpu.dma_semaphore, #tpu.memory_space<semaphore_mem>>)
    %dma_wait3A_24 = arith.constant 1 : i32
    %dma_wait3A_25 = arith.constant 0 : i32
    %dma_wait3A_26 = tpu.memref_slice %arg5[%dma_wait3A_24, %dma_wait3A_25] : memref<2x128xi32, #tpu.memory_space<vmem>> -> memref<1x128xi32, #tpu.memory_space<vmem>>
    %dma_wait3A_27 = tpu.memref_squeeze %dma_wait3A_26 : memref<1x128xi32, #tpu.memory_space<vmem>> -> memref<128xi32, #tpu.memory_space<vmem>>
    %dma_wait3A_28 = arith.constant 0 : i32
    %dma_wait3A_29 = arith.constant 0 : i32
    %dma_wait3A_30 = tpu.memref_slice %arg2[%dma_wait3A_28, %dma_wait3A_29] : memref<10240x128xf32, #tpu.memory_space<hbm>> -> memref<10240x128xf32, #tpu.memory_space<hbm>>
    tpu.wait_indirect_dma semaphore(%arg7 : memref<!tpu.dma_semaphore, #tpu.memory_space<semaphore_mem>>) src(%dma_wait3A_30 : memref<10240x128xf32, #tpu.memory_space<hbm>>) dst(%arg6 : memref<128x128xf32, #tpu.memory_space<vmem>>)
    %mul3A_31 = arith.constant 256 : i32
    %mul3A_32 = arith.muli %add3A, %mul3A_31 : i32
    %add3A_33 = arith.constant 128 : i32
    %add3A_34 = arith.addi %mul3A_32, %add3A_33 : i32
    "tpu.region"() ({
      %run_scoped3A = tpu.sem_alloc : memref<!tpu.dma_semaphore, #tpu.memory_space<semaphore_mem>>
      %dma_start3A_35 = arith.constant 0 : i32
      %dma_start3A_36 = tpu.memref_slice %arg4[%add3A_34, %dma_start3A_35] : memref<8192x128xf32, #tpu.memory_space<hbm>> -> memref<128x128xf32, #tpu.memory_space<hbm>>
      %dma_start3A_37 = arith.constant 0 : i32
      %dma_start3A_38 = tpu.memref_slice %arg4[%add3A_34, %dma_start3A_37] : memref<8192x128xf32, #tpu.memory_space<hbm>> -> memref<128x128xf32, #tpu.memory_space<hbm>>
      tpu.enqueue_dma source(%arg6 : memref<128x128xf32, #tpu.memory_space<vmem>>) target(%dma_start3A_38 : memref<128x128xf32, #tpu.memory_space<hbm>>) target_semaphore(%run_scoped3A : memref<!tpu.dma_semaphore, #tpu.memory_space<semaphore_mem>>)
      %dma_wait3A_39 = arith.constant 0 : i32
      %dma_wait3A_40 = tpu.memref_slice %arg4[%add3A_34, %dma_wait3A_39] : memref<8192x128xf32, #tpu.memory_space<hbm>> -> memref<128x128xf32, #tpu.memory_space<hbm>>
      %dma_wait3A_41 = arith.constant 0 : i32
      %dma_wait3A_42 = tpu.memref_slice %arg4[%add3A_34, %dma_wait3A_41] : memref<8192x128xf32, #tpu.memory_space<hbm>> -> memref<128x128xf32, #tpu.memory_space<hbm>>
      tpu.wait_dma2 semaphore(%run_scoped3A : memref<!tpu.dma_semaphore, #tpu.memory_space<semaphore_mem>>) src(%arg6 : memref<128x128xf32, #tpu.memory_space<vmem>>) dst(%dma_wait3A_42 : memref<128x128xf32, #tpu.memory_space<hbm>>)
      tpu.yield
    }) : () -> ()
    return
  }
}

module attributes {stable_mosaic.version = 14 : i64} {
  func.func @_tc_layer_body(%arg0: i32, %arg1: memref<2x512x128xf32, #tpu.memory_space<vmem>>, %arg2: memref<512x128xf32, #tpu.memory_space<vmem>>, %arg3: memref<512x128xf32, #tpu.memory_space<vmem>>, %arg4: memref<128x128xf32, #tpu.memory_space<vmem>>, %arg5: memref<1x128xf32, #tpu.memory_space<vmem>>, %arg6: memref<128x128xf32, #tpu.memory_space<vmem>>, %arg7: memref<512x128xf32, #tpu.memory_space<vmem>>) attributes {dimension_semantics = [#tpu.dimension_semantics<arbitrary>], iteration_bounds = array<i64: 20>, scalar_prefetch = 0 : i64, scratch_operands = 0 : i64, tpu.core_type = #tpu.core_type<tc>, window_params = [{transform_indices = @transform_0, window_bounds = array<i64: 2, 512, 128>}, {transform_indices = @transform_1, window_bounds = array<i64: 512, 128>}, {transform_indices = @transform_2, window_bounds = array<i64: 512, 128>}, {pipeline_mode = #tpu.pipeline_mode<synchronous>, transform_indices = @transform_3, window_bounds = array<i64: 128, 128>}, {pipeline_mode = #tpu.pipeline_mode<synchronous>, transform_indices = @transform_4, window_bounds = array<i64: 1, 128>}, {pipeline_mode = #tpu.pipeline_mode<synchronous>, transform_indices = @transform_5, window_bounds = array<i64: 128, 128>}, {transform_indices = @transform_6, window_bounds = array<i64: 512, 128>}]} {
    %get3A = arith.constant 0 : index
    %get3A_0 = arith.constant 0 : index
    %get3A_1 = arith.constant 0 : index
    %get3A_2 = vector.load %arg1[%get3A, %get3A_0, %get3A_1] : memref<2x512x128xf32, #tpu.memory_space<vmem>>, vector<1x512x128xf32>
    %get3A_3 = vector.shape_cast %get3A_2 : vector<1x512x128xf32> to vector<512x128xf32>
    %get3A_4 = arith.constant 1 : index
    %get3A_5 = arith.constant 0 : index
    %get3A_6 = arith.constant 0 : index
    %get3A_7 = vector.load %arg1[%get3A_4, %get3A_5, %get3A_6] : memref<2x512x128xf32, #tpu.memory_space<vmem>>, vector<1x512x128xf32>
    %get3A_8 = vector.shape_cast %get3A_7 : vector<1x512x128xf32> to vector<512x128xf32>
    %add3A = arith.addf %get3A_3, %get3A_8 : vector<512x128xf32>
    %get3A_9 = arith.constant 0 : index
    %get3A_10 = arith.constant 0 : index
    %get3A_11 = vector.load %arg2[%get3A_9, %get3A_10] : memref<512x128xf32, #tpu.memory_space<vmem>>, vector<512x128xf32>
    %mul3A = arith.mulf %add3A, %get3A_11 : vector<512x128xf32>
    %get3A_12 = arith.constant 0 : index
    %get3A_13 = arith.constant 0 : index
    %get3A_14 = vector.load %arg4[%get3A_12, %get3A_13] : memref<128x128xf32, #tpu.memory_space<vmem>>, vector<128x128xf32>
    %dot_general3A = arith.constant dense<0.000000e+00> : vector<512x128xf32>
    %dot_general3A_15 = tpu.matmul %mul3A, %get3A_14, %dot_general3A {dimension_numbers = #tpu.dot_dimension_numbers<[1], [0], [0], [1], [0, 0, 1, 1], [], []>, transpose_lhs_hint = false} : vector<512x128xf32>, vector<128x128xf32>, vector<512x128xf32> -> vector<512x128xf32>
    %get3A_16 = arith.constant 0 : index
    %get3A_17 = arith.constant 0 : index
    %get3A_18 = vector.load %arg3[%get3A_16, %get3A_17] : memref<512x128xf32, #tpu.memory_space<vmem>>, vector<512x128xf32>
    %get3A_19 = arith.constant 0 : index
    %get3A_20 = arith.constant 0 : index
    %get3A_21 = vector.load %arg6[%get3A_19, %get3A_20] : memref<128x128xf32, #tpu.memory_space<vmem>>, vector<128x128xf32>
    %dot_general3A_22 = arith.constant dense<0.000000e+00> : vector<512x128xf32>
    %dot_general3A_23 = tpu.matmul %get3A_18, %get3A_21, %dot_general3A_22 {dimension_numbers = #tpu.dot_dimension_numbers<[1], [0], [0], [1], [0, 0, 1, 1], [], []>, transpose_lhs_hint = false} : vector<512x128xf32>, vector<128x128xf32>, vector<512x128xf32> -> vector<512x128xf32>
    %add3A_24 = arith.addf %dot_general3A_15, %dot_general3A_23 : vector<512x128xf32>
    %get3A_25 = arith.constant 0 : index
    %get3A_26 = arith.constant 0 : index
    %get3A_27 = vector.load %arg5[%get3A_25, %get3A_26] : memref<1x128xf32, #tpu.memory_space<vmem>>, vector<1x128xf32>
    %add3A_28 = vector.broadcast %get3A_27 : vector<1x128xf32> to vector<512x128xf32>
    %add3A_29 = arith.addf %add3A_24, %add3A_28 : vector<512x128xf32>
    %max3A = arith.constant 0.000000e+00 : f32
    %max3A_30 = vector.broadcast %max3A : f32 to vector<512x128xf32>
    %max3A_31 = arith.maximumf %add3A_29, %max3A_30 : vector<512x128xf32>
    %swap3A = arith.constant 0 : index
    %swap3A_32 = arith.constant 0 : index
    %swap3A_33 = vector.load %arg7[%swap3A, %swap3A_32] : memref<512x128xf32, #tpu.memory_space<vmem>>, vector<512x128xf32>
    tpu.vector_store %arg7[%swap3A, %swap3A_32], %max3A_31 {strides = array<i32>} : memref<512x128xf32, #tpu.memory_space<vmem>>, vector<512x128xf32>,
    return
  }
  func.func @transform_0(%arg0: i32) -> (i32, i32, i32) {
    %c0_i32 = arith.constant 0 : i32
    %c0_i32_0 = arith.constant 0 : i32
    %c0_i32_1 = arith.constant 0 : i32
    return %c0_i32, %arg0, %c0_i32_0 : i32, i32, i32
  }
  func.func @transform_1(%arg0: i32) -> (i32, i32) {
    %c0_i32 = arith.constant 0 : i32
    %c0_i32_0 = arith.constant 0 : i32
    return %arg0, %c0_i32 : i32, i32
  }
  func.func @transform_2(%arg0: i32) -> (i32, i32) {
    %c0_i32 = arith.constant 0 : i32
    %c0_i32_0 = arith.constant 0 : i32
    return %arg0, %c0_i32 : i32, i32
  }
  func.func @transform_3(%arg0: i32) -> (i32, i32) {
    %c0_i32 = arith.constant 0 : i32
    %c0_i32_0 = arith.constant 0 : i32
    %c0_i32_1 = arith.constant 0 : i32
    return %c0_i32, %c0_i32_0 : i32, i32
  }
  func.func @transform_4(%arg0: i32) -> (i32, i32) {
    %c0_i32 = arith.constant 0 : i32
    %c0_i32_0 = arith.constant 0 : i32
    %c0_i32_1 = arith.constant 0 : i32
    return %c0_i32, %c0_i32_0 : i32, i32
  }
  func.func @transform_5(%arg0: i32) -> (i32, i32) {
    %c0_i32 = arith.constant 0 : i32
    %c0_i32_0 = arith.constant 0 : i32
    %c0_i32_1 = arith.constant 0 : i32
    return %c0_i32, %c0_i32_0 : i32, i32
  }
  func.func @transform_6(%arg0: i32) -> (i32, i32) {
    %c0_i32 = arith.constant 0 : i32
    %c0_i32_0 = arith.constant 0 : i32
    return %arg0, %c0_i32 : i32, i32
  }
}

module attributes {stable_mosaic.version = 14 : i64} {
  func.func @_tc_layer_body(%arg0: i32, %arg1: memref<2x512x128xf32, #tpu.memory_space<vmem>>, %arg2: memref<512x128xf32, #tpu.memory_space<vmem>>, %arg3: memref<512x128xf32, #tpu.memory_space<vmem>>, %arg4: memref<128x128xf32, #tpu.memory_space<vmem>>, %arg5: memref<1x128xf32, #tpu.memory_space<vmem>>, %arg6: memref<128x128xf32, #tpu.memory_space<vmem>>, %arg7: memref<512x128xf32, #tpu.memory_space<vmem>>) attributes {dimension_semantics = [#tpu.dimension_semantics<arbitrary>], iteration_bounds = array<i64: 20>, scalar_prefetch = 0 : i64, scratch_operands = 0 : i64, tpu.core_type = #tpu.core_type<tc>, window_params = [{transform_indices = @transform_0, window_bounds = array<i64: 2, 512, 128>}, {transform_indices = @transform_1, window_bounds = array<i64: 512, 128>}, {transform_indices = @transform_2, window_bounds = array<i64: 512, 128>}, {pipeline_mode = #tpu.pipeline_mode<synchronous>, transform_indices = @transform_3, window_bounds = array<i64: 128, 128>}, {pipeline_mode = #tpu.pipeline_mode<synchronous>, transform_indices = @transform_4, window_bounds = array<i64: 1, 128>}, {pipeline_mode = #tpu.pipeline_mode<synchronous>, transform_indices = @transform_5, window_bounds = array<i64: 128, 128>}, {transform_indices = @transform_6, window_bounds = array<i64: 512, 128>}]} {
    %get3A = arith.constant 0 : index
    %get3A_0 = arith.constant 0 : index
    %get3A_1 = arith.constant 0 : index
    %get3A_2 = vector.load %arg1[%get3A, %get3A_0, %get3A_1] : memref<2x512x128xf32, #tpu.memory_space<vmem>>, vector<1x512x128xf32>
    %get3A_3 = vector.shape_cast %get3A_2 : vector<1x512x128xf32> to vector<512x128xf32>
    %get3A_4 = arith.constant 1 : index
    %get3A_5 = arith.constant 0 : index
    %get3A_6 = arith.constant 0 : index
    %get3A_7 = vector.load %arg1[%get3A_4, %get3A_5, %get3A_6] : memref<2x512x128xf32, #tpu.memory_space<vmem>>, vector<1x512x128xf32>
    %get3A_8 = vector.shape_cast %get3A_7 : vector<1x512x128xf32> to vector<512x128xf32>
    %add3A = arith.addf %get3A_3, %get3A_8 : vector<512x128xf32>
    %get3A_9 = arith.constant 0 : index
    %get3A_10 = arith.constant 0 : index
    %get3A_11 = vector.load %arg2[%get3A_9, %get3A_10] : memref<512x128xf32, #tpu.memory_space<vmem>>, vector<512x128xf32>
    %mul3A = arith.mulf %add3A, %get3A_11 : vector<512x128xf32>
    %get3A_12 = arith.constant 0 : index
    %get3A_13 = arith.constant 0 : index
    %get3A_14 = vector.load %arg4[%get3A_12, %get3A_13] : memref<128x128xf32, #tpu.memory_space<vmem>>, vector<128x128xf32>
    %dot_general3A = arith.constant dense<0.000000e+00> : vector<512x128xf32>
    %dot_general3A_15 = tpu.matmul %mul3A, %get3A_14, %dot_general3A {dimension_numbers = #tpu.dot_dimension_numbers<[1], [0], [0], [1], [0, 0, 1, 1], [], []>, transpose_lhs_hint = false} : vector<512x128xf32>, vector<128x128xf32>, vector<512x128xf32> -> vector<512x128xf32>
    %get3A_16 = arith.constant 0 : index
    %get3A_17 = arith.constant 0 : index
    %get3A_18 = vector.load %arg3[%get3A_16, %get3A_17] : memref<512x128xf32, #tpu.memory_space<vmem>>, vector<512x128xf32>
    %get3A_19 = arith.constant 0 : index
    %get3A_20 = arith.constant 0 : index
    %get3A_21 = vector.load %arg6[%get3A_19, %get3A_20] : memref<128x128xf32, #tpu.memory_space<vmem>>, vector<128x128xf32>
    %dot_general3A_22 = arith.constant dense<0.000000e+00> : vector<512x128xf32>
    %dot_general3A_23 = tpu.matmul %get3A_18, %get3A_21, %dot_general3A_22 {dimension_numbers = #tpu.dot_dimension_numbers<[1], [0], [0], [1], [0, 0, 1, 1], [], []>, transpose_lhs_hint = false} : vector<512x128xf32>, vector<128x128xf32>, vector<512x128xf32> -> vector<512x128xf32>
    %add3A_24 = arith.addf %dot_general3A_15, %dot_general3A_23 : vector<512x128xf32>
    %get3A_25 = arith.constant 0 : index
    %get3A_26 = arith.constant 0 : index
    %get3A_27 = vector.load %arg5[%get3A_25, %get3A_26] : memref<1x128xf32, #tpu.memory_space<vmem>>, vector<1x128xf32>
    %add3A_28 = vector.broadcast %get3A_27 : vector<1x128xf32> to vector<512x128xf32>
    %add3A_29 = arith.addf %add3A_24, %add3A_28 : vector<512x128xf32>
    %swap3A = arith.constant 0 : index
    %swap3A_30 = arith.constant 0 : index
    %swap3A_31 = vector.load %arg7[%swap3A, %swap3A_30] : memref<512x128xf32, #tpu.memory_space<vmem>>, vector<512x128xf32>
    tpu.vector_store %arg7[%swap3A, %swap3A_30], %add3A_29 {strides = array<i32>} : memref<512x128xf32, #tpu.memory_space<vmem>>, vector<512x128xf32>,
    return
  }
  func.func @transform_0(%arg0: i32) -> (i32, i32, i32) {
    %c0_i32 = arith.constant 0 : i32
    %c0_i32_0 = arith.constant 0 : i32
    %c0_i32_1 = arith.constant 0 : i32
    return %c0_i32, %arg0, %c0_i32_0 : i32, i32, i32
  }
  func.func @transform_1(%arg0: i32) -> (i32, i32) {
    %c0_i32 = arith.constant 0 : i32
    %c0_i32_0 = arith.constant 0 : i32
    return %arg0, %c0_i32 : i32, i32
  }
  func.func @transform_2(%arg0: i32) -> (i32, i32) {
    %c0_i32 = arith.constant 0 : i32
    %c0_i32_0 = arith.constant 0 : i32
    return %arg0, %c0_i32 : i32, i32
  }
  func.func @transform_3(%arg0: i32) -> (i32, i32) {
    %c0_i32 = arith.constant 0 : i32
    %c0_i32_0 = arith.constant 0 : i32
    %c0_i32_1 = arith.constant 0 : i32
    return %c0_i32, %c0_i32_0 : i32, i32
  }
  func.func @transform_4(%arg0: i32) -> (i32, i32) {
    %c0_i32 = arith.constant 0 : i32
    %c0_i32_0 = arith.constant 0 : i32
    %c0_i32_1 = arith.constant 0 : i32
    return %c0_i32, %c0_i32_0 : i32, i32
  }
  func.func @transform_5(%arg0: i32) -> (i32, i32) {
    %c0_i32 = arith.constant 0 : i32
    %c0_i32_0 = arith.constant 0 : i32
    %c0_i32_1 = arith.constant 0 : i32
    return %c0_i32, %c0_i32_0 : i32, i32
  }
  func.func @transform_6(%arg0: i32) -> (i32, i32) {
    %c0_i32 = arith.constant 0 : i32
    %c0_i32_0 = arith.constant 0 : i32
    return %arg0, %c0_i32 : i32, i32
  }
}

module attributes {stable_mosaic.version = 14 : i64} {
  func.func @_tc_mlp_body(%arg0: i32, %arg1: memref<512x128xf32, #tpu.memory_space<vmem>>, %arg2: memref<512x128xf32, #tpu.memory_space<vmem>>, %arg3: memref<512x128xf32, #tpu.memory_space<vmem>>, %arg4: memref<128x64xf32, #tpu.memory_space<vmem>>, %arg5: memref<1x64xf32, #tpu.memory_space<vmem>>, %arg6: memref<128x128xf32, #tpu.memory_space<vmem>>, %arg7: memref<128x128xf32, #tpu.memory_space<vmem>>, %arg8: memref<64x128xf32, #tpu.memory_space<vmem>>, %arg9: memref<1x128xf32, #tpu.memory_space<vmem>>, %arg10: memref<1x128xf32, #tpu.memory_space<vmem>>, %arg11: memref<1x128xf32, #tpu.memory_space<vmem>>, %arg12: memref<128x128xf32, #tpu.memory_space<vmem>>, %arg13: memref<1x128xf32, #tpu.memory_space<vmem>>, %arg14: memref<128x1xf32, #tpu.memory_space<vmem>>, %arg15: memref<1x1xf32, #tpu.memory_space<vmem>>, %arg16: memref<512x1xf32, #tpu.memory_space<vmem>>) attributes {dimension_semantics = [#tpu.dimension_semantics<arbitrary>], iteration_bounds = array<i64: 8>, scalar_prefetch = 0 : i64, scratch_operands = 0 : i64, tpu.core_type = #tpu.core_type<tc>, window_params = [{transform_indices = @transform_0, window_bounds = array<i64: 512, 128>}, {transform_indices = @transform_1, window_bounds = array<i64: 512, 128>}, {transform_indices = @transform_2, window_bounds = array<i64: 512, 128>}, {pipeline_mode = #tpu.pipeline_mode<synchronous>, transform_indices = @transform_3, window_bounds = array<i64: 128, 64>}, {pipeline_mode = #tpu.pipeline_mode<synchronous>, transform_indices = @transform_4, window_bounds = array<i64: 1, 64>}, {pipeline_mode = #tpu.pipeline_mode<synchronous>, transform_indices = @transform_5, window_bounds = array<i64: 128, 128>}, {pipeline_mode = #tpu.pipeline_mode<synchronous>, transform_indices = @transform_6, window_bounds = array<i64: 128, 128>}, {pipeline_mode = #tpu.pipeline_mode<synchronous>, transform_indices = @transform_7, window_bounds = array<i64: 64, 128>}, {pipeline_mode = #tpu.pipeline_mode<synchronous>, transform_indices = @transform_8, window_bounds = array<i64: 1, 128>}, {pipeline_mode = #tpu.pipeline_mode<synchronous>, transform_indices = @transform_9, window_bounds = array<i64: 1, 128>}, {pipeline_mode = #tpu.pipeline_mode<synchronous>, transform_indices = @transform_10, window_bounds = array<i64: 1, 128>}, {pipeline_mode = #tpu.pipeline_mode<synchronous>, transform_indices = @transform_11, window_bounds = array<i64: 128, 128>}, {pipeline_mode = #tpu.pipeline_mode<synchronous>, transform_indices = @transform_12, window_bounds = array<i64: 1, 128>}, {pipeline_mode = #tpu.pipeline_mode<synchronous>, transform_indices = @transform_13, window_bounds = array<i64: 128, 1>}, {pipeline_mode = #tpu.pipeline_mode<synchronous>, transform_indices = @transform_14, window_bounds = array<i64: 1, 1>}, {transform_indices = @transform_15, window_bounds = array<i64: 512, 1>}]} {
    %get3A = arith.constant 0 : index
    %get3A_0 = arith.constant 0 : index
    %get3A_1 = vector.load %arg3[%get3A, %get3A_0] : memref<512x128xf32, #tpu.memory_space<vmem>>, vector<512x128xf32>
    %get3A_2 = arith.constant 0 : index
    %get3A_3 = arith.constant 0 : index
    %get3A_4 = vector.load %arg4[%get3A_2, %get3A_3] : memref<128x64xf32, #tpu.memory_space<vmem>>, vector<128x64xf32>
    %dot_general3A = arith.constant dense<0.000000e+00> : vector<512x64xf32>
    %dot_general3A_5 = tpu.matmul %get3A_1, %get3A_4, %dot_general3A {dimension_numbers = #tpu.dot_dimension_numbers<[1], [0], [0], [1], [0, 0, 1, 1], [], []>, transpose_lhs_hint = false} : vector<512x128xf32>, vector<128x64xf32>, vector<512x64xf32> -> vector<512x64xf32>
    %get3A_6 = arith.constant 0 : index
    %get3A_7 = arith.constant 0 : index
    %get3A_8 = vector.load %arg5[%get3A_6, %get3A_7] : memref<1x64xf32, #tpu.memory_space<vmem>>, vector<1x64xf32>
    %add3A = vector.broadcast %get3A_8 : vector<1x64xf32> to vector<512x64xf32>
    %add3A_9 = arith.addf %dot_general3A_5, %add3A : vector<512x64xf32>
    %max3A = arith.constant 0.000000e+00 : f32
    %max3A_10 = vector.broadcast %max3A : f32 to vector<512x64xf32>
    %max3A_11 = arith.maximumf %add3A_9, %max3A_10 : vector<512x64xf32>
    %get3A_12 = arith.constant 0 : index
    %get3A_13 = arith.constant 0 : index
    %get3A_14 = vector.load %arg1[%get3A_12, %get3A_13] : memref<512x128xf32, #tpu.memory_space<vmem>>, vector<512x128xf32>
    %get3A_15 = arith.constant 0 : index
    %get3A_16 = arith.constant 0 : index
    %get3A_17 = vector.load %arg6[%get3A_15, %get3A_16] : memref<128x128xf32, #tpu.memory_space<vmem>>, vector<128x128xf32>
    %dot_general3A_18 = arith.constant dense<0.000000e+00> : vector<512x128xf32>
    %dot_general3A_19 = tpu.matmul %get3A_14, %get3A_17, %dot_general3A_18 {dimension_numbers = #tpu.dot_dimension_numbers<[1], [0], [0], [1], [0, 0, 1, 1], [], []>, transpose_lhs_hint = false} : vector<512x128xf32>, vector<128x128xf32>, vector<512x128xf32> -> vector<512x128xf32>
    %get3A_20 = arith.constant 0 : index
    %get3A_21 = arith.constant 0 : index
    %get3A_22 = vector.load %arg2[%get3A_20, %get3A_21] : memref<512x128xf32, #tpu.memory_space<vmem>>, vector<512x128xf32>
    %get3A_23 = arith.constant 0 : index
    %get3A_24 = arith.constant 0 : index
    %get3A_25 = vector.load %arg7[%get3A_23, %get3A_24] : memref<128x128xf32, #tpu.memory_space<vmem>>, vector<128x128xf32>
    %dot_general3A_26 = arith.constant dense<0.000000e+00> : vector<512x128xf32>
    %dot_general3A_27 = tpu.matmul %get3A_22, %get3A_25, %dot_general3A_26 {dimension_numbers = #tpu.dot_dimension_numbers<[1], [0], [0], [1], [0, 0, 1, 1], [], []>, transpose_lhs_hint = false} : vector<512x128xf32>, vector<128x128xf32>, vector<512x128xf32> -> vector<512x128xf32>
    %add3A_28 = arith.addf %dot_general3A_19, %dot_general3A_27 : vector<512x128xf32>
    %get3A_29 = arith.constant 0 : index
    %get3A_30 = arith.constant 0 : index
    %get3A_31 = vector.load %arg8[%get3A_29, %get3A_30] : memref<64x128xf32, #tpu.memory_space<vmem>>, vector<64x128xf32>
    %dot_general3A_32 = arith.constant dense<0.000000e+00> : vector<512x128xf32>
    %dot_general3A_33 = tpu.matmul %max3A_11, %get3A_31, %dot_general3A_32 {dimension_numbers = #tpu.dot_dimension_numbers<[1], [0], [0], [1], [0, 0, 1, 1], [], []>, transpose_lhs_hint = false} : vector<512x64xf32>, vector<64x128xf32>, vector<512x128xf32> -> vector<512x128xf32>
    %add3A_34 = arith.addf %add3A_28, %dot_general3A_33 : vector<512x128xf32>
    %get3A_35 = arith.constant 0 : index
    %get3A_36 = arith.constant 0 : index
    %get3A_37 = vector.load %arg9[%get3A_35, %get3A_36] : memref<1x128xf32, #tpu.memory_space<vmem>>, vector<1x128xf32>
    %add3A_38 = vector.broadcast %get3A_37 : vector<1x128xf32> to vector<512x128xf32>
    %add3A_39 = arith.addf %add3A_34, %add3A_38 : vector<512x128xf32>
    %max3A_40 = arith.constant 0.000000e+00 : f32
    %max3A_41 = vector.broadcast %max3A_40 : f32 to vector<512x128xf32>
    %max3A_42 = arith.maximumf %add3A_39, %max3A_41 : vector<512x128xf32>
    %get3A_43 = arith.constant 0 : index
    %get3A_44 = arith.constant 0 : index
    %get3A_45 = vector.load %arg10[%get3A_43, %get3A_44] : memref<1x128xf32, #tpu.memory_space<vmem>>, vector<1x128xf32>
    %mul3A = vector.broadcast %get3A_45 : vector<1x128xf32> to vector<512x128xf32>
    %mul3A_46 = arith.mulf %max3A_42, %mul3A : vector<512x128xf32>
    %get3A_47 = arith.constant 0 : index
    %get3A_48 = arith.constant 0 : index
    %get3A_49 = vector.load %arg11[%get3A_47, %get3A_48] : memref<1x128xf32, #tpu.memory_space<vmem>>, vector<1x128xf32>
    %add3A_50 = vector.broadcast %get3A_49 : vector<1x128xf32> to vector<512x128xf32>
    %add3A_51 = arith.addf %mul3A_46, %add3A_50 : vector<512x128xf32>
    %get3A_52 = arith.constant 0 : index
    %get3A_53 = arith.constant 0 : index
    %get3A_54 = vector.load %arg12[%get3A_52, %get3A_53] : memref<128x128xf32, #tpu.memory_space<vmem>>, vector<128x128xf32>
    %dot_general3A_55 = arith.constant dense<0.000000e+00> : vector<512x128xf32>
    %dot_general3A_56 = tpu.matmul %add3A_51, %get3A_54, %dot_general3A_55 {dimension_numbers = #tpu.dot_dimension_numbers<[1], [0], [0], [1], [0, 0, 1, 1], [], []>, transpose_lhs_hint = false} : vector<512x128xf32>, vector<128x128xf32>, vector<512x128xf32> -> vector<512x128xf32>
    %get3A_57 = arith.constant 0 : index
    %get3A_58 = arith.constant 0 : index
    %get3A_59 = vector.load %arg13[%get3A_57, %get3A_58] : memref<1x128xf32, #tpu.memory_space<vmem>>, vector<1x128xf32>
    %add3A_60 = vector.broadcast %get3A_59 : vector<1x128xf32> to vector<512x128xf32>
    %add3A_61 = arith.addf %dot_general3A_56, %add3A_60 : vector<512x128xf32>
    %max3A_62 = arith.constant 0.000000e+00 : f32
    %max3A_63 = vector.broadcast %max3A_62 : f32 to vector<512x128xf32>
    %max3A_64 = arith.maximumf %add3A_61, %max3A_63 : vector<512x128xf32>
    %get3A_65 = arith.constant 0 : index
    %get3A_66 = arith.constant 0 : index
    %get3A_67 = vector.load %arg14[%get3A_65, %get3A_66] : memref<128x1xf32, #tpu.memory_space<vmem>>, vector<128x1xf32>
    %dot_general3A_68 = arith.constant dense<0.000000e+00> : vector<512x1xf32>
    %dot_general3A_69 = tpu.matmul %max3A_64, %get3A_67, %dot_general3A_68 {dimension_numbers = #tpu.dot_dimension_numbers<[1], [0], [0], [1], [0, 0, 1, 1], [], []>, transpose_lhs_hint = false} : vector<512x128xf32>, vector<128x1xf32>, vector<512x1xf32> -> vector<512x1xf32>
    %get3A_70 = arith.constant 0 : index
    %get3A_71 = arith.constant 0 : index
    %get3A_72 = vector.load %arg15[%get3A_70, %get3A_71] : memref<1x1xf32, #tpu.memory_space<vmem>>, vector<1x1xf32>
    %add3A_73 = vector.broadcast %get3A_72 : vector<1x1xf32> to vector<512x1xf32>
    %add3A_74 = arith.addf %dot_general3A_69, %add3A_73 : vector<512x1xf32>
    %logistic3A = arith.negf %add3A_74 : vector<512x1xf32>
    %logistic3A_75 = math.exp %logistic3A : vector<512x1xf32>
    %logistic3A_76 = arith.constant 1.000000e+00 : f32
    %logistic3A_77 = vector.broadcast %logistic3A_76 : f32 to vector<512x1xf32>
    %logistic3A_78 = arith.addf %logistic3A_77, %logistic3A_75 : vector<512x1xf32>
    %logistic3A_79 = arith.divf %logistic3A_77, %logistic3A_78 : vector<512x1xf32>
    %swap3A = arith.constant 0 : index
    %swap3A_80 = arith.constant 0 : index
    %swap3A_81 = vector.load %arg16[%swap3A, %swap3A_80] : memref<512x1xf32, #tpu.memory_space<vmem>>, vector<512x1xf32>
    tpu.vector_store %arg16[%swap3A, %swap3A_80], %logistic3A_79 {strides = array<i32>} : memref<512x1xf32, #tpu.memory_space<vmem>>, vector<512x1xf32>,
    return
  }
  func.func @transform_0(%arg0: i32) -> (i32, i32) {
    %c0_i32 = arith.constant 0 : i32
    %c0_i32_0 = arith.constant 0 : i32
    return %arg0, %c0_i32 : i32, i32
  }
  func.func @transform_1(%arg0: i32) -> (i32, i32) {
    %add3A = arith.constant 8 : i32
    %add3A_0 = arith.addi %arg0, %add3A : i32
    %c0_i32 = arith.constant 0 : i32
    %c0_i32_1 = arith.constant 0 : i32
    return %add3A_0, %c0_i32 : i32, i32
  }
  func.func @transform_2(%arg0: i32) -> (i32, i32) {
    %c0_i32 = arith.constant 0 : i32
    %c0_i32_0 = arith.constant 0 : i32
    return %arg0, %c0_i32 : i32, i32
  }
  func.func @transform_3(%arg0: i32) -> (i32, i32) {
    %c0_i32 = arith.constant 0 : i32
    %c0_i32_0 = arith.constant 0 : i32
    %c0_i32_1 = arith.constant 0 : i32
    return %c0_i32, %c0_i32_0 : i32, i32
  }
  func.func @transform_4(%arg0: i32) -> (i32, i32) {
    %c0_i32 = arith.constant 0 : i32
    %c0_i32_0 = arith.constant 0 : i32
    %c0_i32_1 = arith.constant 0 : i32
    return %c0_i32, %c0_i32_0 : i32, i32
  }
  func.func @transform_5(%arg0: i32) -> (i32, i32) {
    %c0_i32 = arith.constant 0 : i32
    %c0_i32_0 = arith.constant 0 : i32
    %c0_i32_1 = arith.constant 0 : i32
    return %c0_i32, %c0_i32_0 : i32, i32
  }
  func.func @transform_6(%arg0: i32) -> (i32, i32) {
    %c0_i32 = arith.constant 0 : i32
    %c0_i32_0 = arith.constant 0 : i32
    %c0_i32_1 = arith.constant 0 : i32
    return %c0_i32, %c0_i32_0 : i32, i32
  }
  func.func @transform_7(%arg0: i32) -> (i32, i32) {
    %c0_i32 = arith.constant 0 : i32
    %c0_i32_0 = arith.constant 0 : i32
    %c0_i32_1 = arith.constant 0 : i32
    return %c0_i32, %c0_i32_0 : i32, i32
  }
  func.func @transform_8(%arg0: i32) -> (i32, i32) {
    %c0_i32 = arith.constant 0 : i32
    %c0_i32_0 = arith.constant 0 : i32
    %c0_i32_1 = arith.constant 0 : i32
    return %c0_i32, %c0_i32_0 : i32, i32
  }
  func.func @transform_9(%arg0: i32) -> (i32, i32) {
    %c0_i32 = arith.constant 0 : i32
    %c0_i32_0 = arith.constant 0 : i32
    %c0_i32_1 = arith.constant 0 : i32
    return %c0_i32, %c0_i32_0 : i32, i32
  }
  func.func @transform_10(%arg0: i32) -> (i32, i32) {
    %c0_i32 = arith.constant 0 : i32
    %c0_i32_0 = arith.constant 0 : i32
    %c0_i32_1 = arith.constant 0 : i32
    return %c0_i32, %c0_i32_0 : i32, i32
  }
  func.func @transform_11(%arg0: i32) -> (i32, i32) {
    %c0_i32 = arith.constant 0 : i32
    %c0_i32_0 = arith.constant 0 : i32
    %c0_i32_1 = arith.constant 0 : i32
    return %c0_i32, %c0_i32_0 : i32, i32
  }
  func.func @transform_12(%arg0: i32) -> (i32, i32) {
    %c0_i32 = arith.constant 0 : i32
    %c0_i32_0 = arith.constant 0 : i32
    %c0_i32_1 = arith.constant 0 : i32
    return %c0_i32, %c0_i32_0 : i32, i32
  }
  func.func @transform_13(%arg0: i32) -> (i32, i32) {
    %c0_i32 = arith.constant 0 : i32
    %c0_i32_0 = arith.constant 0 : i32
    %c0_i32_1 = arith.constant 0 : i32
    return %c0_i32, %c0_i32_0 : i32, i32
  }
  func.func @transform_14(%arg0: i32) -> (i32, i32) {
    %c0_i32 = arith.constant 0 : i32
    %c0_i32_0 = arith.constant 0 : i32
    %c0_i32_1 = arith.constant 0 : i32
    return %c0_i32, %c0_i32_0 : i32, i32
  }
  func.func @transform_15(%arg0: i32) -> (i32, i32) {
    %c0_i32 = arith.constant 0 : i32
    %c0_i32_0 = arith.constant 0 : i32
    return %arg0, %c0_i32 : i32, i32
  }
}

</mosaic_0001>

<sc_bundles>
// kernel: kernel.11.cloned.1.call-start
scs
__scs_entry_jumppad:
0x0: {  	(pc) =	sbr.rel $0x88, $3  }
0x1: {  	(tag) =	ssettag $0x0;
	lr =	simm.s32 $0x1  }
0x2: {  	[smem:$0x3F8C] =	sst lr;
	_ =	strace $0xD0000000  }
0x3: {  	_ = 	snop  }
0x4: {  	_ = 	snop  }
0x5: {  	_ = 	snop  }
0x6: {  	_ = 	snop  }
0x7: {  	_ = 	snop  }
__scs_overlays_trampoline_lowered:
0x8: {  	[smem:$0x3F9B] =	sst s0  }
0x9: {  	[smem:$0x3F9C] =	sst s1  }
0xa: {  	[smem:$0x3F9D] =	sst s2  }
0xb: {  	[smem:$0x3F9E] =	sst s3  }
0xc: {  	[smem:$0x3F9F] =	sst s4  }
0xd: {  	[smem:$0x3FA0] =	sst s5  }
0xe: {  	[smem:$0x3FA1] =	sst s6  }
0xf: {  	[smem:$0x3FA2] =	sst s7  }
0x10: {  	[smem:$0x3FA3] =	sst s8  }
0x11: {  	[smem:$0x3FA4] =	sst s9;
	s0 =	simm.s32 @!p0 $0x0  }
0x12: {  	s1 =	sld [smem:$0x3F8A];
	s0 =	simm.s32 @p0 $0x1  }
0x13: {  	[smem:$0x3FA5] =	sst s0;
	s0 =	simm.s32 @!p1 $0x0  }
0x14: {  	s2 =	sld [smem:$0x3F89];
	s0 =	simm.s32 @p1 $0x1  }
0x15: {  	[smem:$0x3FA6] =	sst s0;
	s0 =	simm.s32 @!p2 $0x0  }
0x16: {  	s3 =	sld [smem:$0x3FDB];
	s0 =	simm.s32 @p2 $0x1  }
0x17: {  	s4 =	simm.s32 $0x1BF5;
	[smem:$0x3FA8] =	sst s0  }
0x18: {  	s0 =	sld [smem:$0x3F8B];
	_ =	swait.ge [sflag:s4], $0x0  }
0x19: {  	s7 =	sld [smem:$0x3F8C]  }
0x1a: {  	s8 =	sadd.s32 $0xFFFFE003, lr  }
0x1b: {  	s9 =	sadd.s32 $0xFFFFFEF7, lr;
	s5 =	simm.s32 $0xFFFFFFFF;
	p2 =	slt.u32 s8, $0xFFFFF086  }
0x1c: {  	p1 =	slt.u32 s9, $0xF7A;
	s5 =	simm.s32 @!p2 $0x0  }
0x1d: {  	s5 =	simm.s32 @p1 $0x1;
	p0 =	seq.s32 s7, s2  }
0x1e: {  	s7 =	smul.u32 @!p0 $0xF7A, s2;
	p2 =	seq.s32 @!p0 s5, $0x0  }
0x1f: {  	s9 =	smul.u32 $0xF7A, s1;
	s8 =	simm.s32 @!p0 $0x1BF5;
	p2 =	por !p2, p0  }
0x20: {  	[sflag:s8] =	ssyncset.s32 @!p0 $0xFFFFF086;
	s6 =	sadd.s32 @!p0 s3, s7;
	s7 =	simm.s32 @!p0 $0x108  }
0x21: {  	s3 =	sadd.s32 s3, s9;
	s6 =	sadd.s32 @!p0 $0x88, s6;
	s7 =	simm.s32 @p2 $0x1082  }
0x22: {  	[simem:s7], [sflag:s8] =	dma.local @!p0 [hbm:s6], $0xF7A  }
0x23: {  	s9 =	sor.u32 $0xD0000000, s2;
	s6 =	simm.s32 $0x108;
	_ =	swait.ge @!p0 [sflag:s8], $0x0  }
0x24: {  	s3 =	sadd.s32 $0x88, s3;
	s6 =	simm.s32 @!p1 $0x1082;
	[sflag:s4] =	ssyncset.s32 $0xFFFFF086  }
0x25: {  	[simem:s6], [sflag:s4] =	dma.local [hbm:s3], $0xF7A  }
0x26: {  	[smem:$0x3F8C] =	sst s1;
	(tag) =	ssettag s2;
	_ =	strace s9  }
0x27: {  	s1 =	sld [smem:$0x3F9C]  }
0x28: {  	s2 =	sld [smem:$0x3F9D]  }
0x29: {  	s4 =	sld [smem:$0x3F9F]  }
0x2a: {  	p0 =	seq.s32 s5, $0x0;
	s5 =	sld [smem:$0x3FA0]  }
0x2b: {  	s6 =	sld [smem:$0x3FA1]  }
0x2c: {  	s7 =	sld [smem:$0x3FA2]  }
0x2d: {  	s3 =	simm.s32 $0x108;
	s8 =	sld [smem:$0x3FA3]  }
0x2e: {  	s3 =	simm.s32 @!p0 $0x1082;
	s9 =	sld [smem:$0x3FA4]  }
0x2f: {  	lr =	sadd.s32 s0, s3;
	s0 =	sld [smem:$0x3F9B]  }
0x30: {  	s3 =	sld [smem:$0x3F9E]  }
0x31: {  	[smem:$0x3FA7] =	sst s10  }
0x32: {  	s10 =	sld [smem:$0x3FA5];
	_ =	sdelay $0x3  }
0x33: {  	p0 =	seq.s32 s10, $0x1;
	s10 =	sld [smem:$0x3FA7];
	_ =	sdelay $0x3  }
0x34: {  	[smem:$0x3FA7] =	sst s10  }
0x35: {  	s10 =	sld [smem:$0x3FA6];
	_ =	sdelay $0x3  }
0x36: {  	p1 =	seq.s32 s10, $0x1;
	s10 =	sld [smem:$0x3FA7];
	_ =	sdelay $0x3  }
0x37: {  	[smem:$0x3FA7] =	sst s10  }
0x38: {  	s10 =	sld [smem:$0x3FA8]  }
0x39: {  	_ = 	snop;
	(pc) =	sbr.ind lr, $3  }
0x3a: {  	_ = 	snop  }
0x3b: {  	_ = 	snop  }
0x3c: {  	p2 =	seq.s32 s10, $0x1;
	s10 =	sld [smem:$0x3FA7]  }
0x3d: {  	_ =	shalt  }
0x3e: {  	_ =	shalt  }
0x3f: {  	_ =	shalt  }
0x40: {  	_ =	shalt  }
0x41: {  	_ =	shalt  }
0x42: {  	_ =	shalt  }
0x43: {  	_ =	shalt  }
0x44: {  	_ =	shalt  }
0x45: {  	_ =	shalt  }
0x46: {  	_ =	shalt  }
0x47: {  	_ =	shalt  }
0x48: {  	_ =	shalt  }
0x49: {  	_ =	shalt  }
0x4a: {  	_ =	shalt  }
0x4b: {  	_ =	shalt  }
0x4c: {  	_ =	shalt  }
0x4d: {  	_ =	shalt  }
0x4e: {  	_ =	shalt  }
0x4f: {  	_ =	shalt  }
0x50: {  	_ =	shalt  }
0x51: {  	_ =	shalt  }
0x52: {  	_ =	shalt  }
0x53: {  	_ =	shalt  }
0x54: {  	_ =	shalt  }
0x55: {  	_ =	shalt  }
0x56: {  	_ =	shalt  }
0x57: {  	_ =	shalt  }
0x58: {  	_ =	shalt  }
0x59: {  	_ =	shalt  }
0x5a: {  	_ =	shalt  }
0x5b: {  	_ =	shalt  }
0x5c: {  	_ =	shalt  }
0x5d: {  	_ =	shalt  }
0x5e: {  	_ =	shalt  }
0x5f: {  	_ =	shalt  }
0x60: {  	_ =	shalt  }
0x61: {  	_ =	shalt  }
0x62: {  	_ =	shalt  }
0x63: {  	_ =	shalt  }
0x64: {  	_ =	shalt  }
0x65: {  	_ =	shalt  }
0x66: {  	_ =	shalt  }
0x67: {  	_ =	shalt  }
0x68: {  	_ =	shalt  }
0x69: {  	_ =	shalt  }
0x6a: {  	_ =	shalt  }
0x6b: {  	_ =	shalt  }
0x6c: {  	_ =	shalt  }
0x6d: {  	_ =	shalt  }
0x6e: {  	_ =	shalt  }
0x6f: {  	_ =	shalt  }
0x70: {  	_ =	shalt  }
0x71: {  	_ =	shalt  }
0x72: {  	_ =	shalt  }
0x73: {  	_ =	shalt  }
0x74: {  	_ =	shalt  }
0x75: {  	_ =	shalt  }
0x76: {  	_ =	shalt  }
0x77: {  	_ =	shalt  }
0x78: {  	_ =	shalt  }
0x79: {  	_ =	shalt  }
0x7a: {  	_ =	shalt  }
0x7b: {  	_ =	shalt  }
0x7c: {  	_ =	shalt  }
0x7d: {  	_ =	shalt  }
0x7e: {  	_ =	shalt  }
0x7f: {  	_ =	shalt  }
0x80: {  	_ =	shalt  }
0x81: {  	_ =	shalt  }
0x82: {  	_ =	shalt  }
0x83: {  	_ =	shalt  }
0x84: {  	_ =	shalt  }
0x85: {  	_ =	shalt  }
0x86: {  	_ =	shalt  }
0x87: {  	_ =	shalt  }
.Lfunc_end0:
.L_simem_size_0:
called_computation.1_lowered:
.L_overlay_start_0:
0x88: {  	s2 =	sld [smem:$0x3FD9]  }
0x89: {  	s3 =	sld [smem:$0x3FFE];
	_ =	sdelay $0x1  }
0x8a: {  	s1 =	srdreg.scid  }
0x8b: {  	s0 =	sand.u32 $0x1, s1  }
0x8c: {  	s16 =	sshll.u32 s0, $0xA;
	s2 =	sadd.s32 s3, s2  }
0x8d: {  	s2 =	sadd.s32 s2, s16  }
0x8e: {  	[smem:$0x3FB3] =	sst s2  }
0x8f: {  	_ = 	snop  }
0x90: {  	(tm) =	ssettm $0x1  }
0x91: {  	s17 =	sld [smem:$0x3FFB];
	_ =	sdelay $0x3  }
0x92: {  	_ =	strace s17  }
0x93: {  	s2 =	sld [smem:$0x3FFC];
	_ =	sdelay $0x3  }
0x94: {  	_ =	strace s2  }
0x95: {  	s2 =	sld [smem:$0x3FFD];
	_ =	sdelay $0x3  }
0x96: {  	_ =	strace s2  }
0x97: {  	_ =	strace $0x8FFFFFFF  }
0x98: {  	s18 =	sld [smem:$0x3FDB];
	_ =	sdelay $0x1  }
0x99: {  	s19 =	simm.s32 $_scs_section_size  }
0x9a: {  	s4 =	simm.s32 $_size__tile_overlayer_lowered;
	s5 =	simm.s32 $_tile_overlayer_lowered  }
0x9b: {  	s22 =	simm.s32 $0x1BFF;
	s21 =	sshll.u32 s5, $0x1;
	s2 =	sadd.s32 s19, s18  }
0x9c: {  	s6 =	simm.s32 $0x0;
	s20 =	sshll.u32 s4, $0x1;
	s4 =	sadd.s32 s21, s2  }
0x9d: {  	[timem:s6], [sflag:s22] =	dma.local [hbm:s4], s20  }
0x9e: {  	_ =	swait.ge [sflag:s22], s20  }
0x9f: {  	s3 =	ssub.s32 $0x0, s20;
	[sflag:s22] =	ssyncset.done $0x0  }
0xa0: {  	[sflag:s22] =	ssyncadd.s32 s3;
	_ =	sdelay $0x1  }
0xa1: {  	s23 =	simm.s32 $0x1B8B  }
0xa2: {  	_ =	swait.ge [sflag:s23], $0x1  }
0xa3: {  	[sflag:s23] =	ssyncset.done $0x0  }
0xa4: {  	s25 =	simm.s32 $0x1B8E;
	s24 =	sld [smem:$0x3FFE];
	[sflag:s23] =	ssyncadd.s32 $0xFFFFFFFF  }
0xa5: {  	s26 =	simm.s32 $execute0_lowered;
	[smem:$0x3FD2] =	sst s25  }
0xa6: {  	s4 =	sshll.u32 s26, $0x1;
	_ =	strace $0x80000049;
	[dreg:$0x1] =	wrdreg $0xFFFFFFFF  }
0xa7: {  	s28 =	simm.s32 $_size_execute0_lowered;
	s2 =	sadd.s32 s2, s4;
	[dreg:$0x0] =	wrdreg $0x0  }
0xa8: {  	s4 =	sshll.u32 s28, $0x1;
	[dreg:$0x2] =	wrdreg s2  }
0xa9: {  	[dreg:$0x3] =	wrdreg s4  }
0xaa: {  	[dreg:$0x4] =	wrdreg $0xC0  }
0xab: {  	_ =	task [dreg:s6], $0x5FFFF  }
0xac: {  	[dreg:$0x1] =	wrdreg $0xFFFFFFFF  }
0xad: {  	[dreg:$0x0] =	wrdreg $0x60  }
0xae: {  	[dreg:$0x2] =	wrdreg s24  }
0xaf: {  	[dreg:$0x3] =	wrdreg $0xA8800  }
0xb0: {  	[dreg:$0x4] =	wrdreg $0x1E8800  }
0xb1: {  	[dreg:$0x5] =	wrdreg $0x9  }
0xb2: {  	_ =	task.clear_ibuf [dreg:s6], $0x6FFFF;
	_ =	strace $0x90000049  }
0xb3: {  	s29 =	simm.s32 $0x9;
	_ =	strace $0x8000004B  }
0xb4: {  	_ =	swait.ge [sflag:s29], $0x1  }
0xb5: {  	[sflag:s29] =	ssyncadd.s32 $0xFFFFFFFF  }
0xb6: {  	_ =	strace $0x9000004B  }
0xb7: {  	_ =	sfence  }
0xb8: {  	s30 =	sld [smem:$0x0];
	_ =	sdelay $0x2  }
0xb9: {  	s31 =	sshll.u32 s1, $0xD;
	s1 =	sshrl.u32 s1, $0x2  }
0xba: {  	s3 =	sand.u32 $0x4000, s31;
	s1 =	sadd.s32 s1, s30  }
0xbb: {  	s0 =	sor.u32 s3, s0;
	s1 =	sshll.u32 s1, $0x11  }
0xbc: {  	s0 =	sor.u32 s1, s0  }
0xbd: {  	s0 =	sadd.s32 $0x8F2B, s0  }
0xbe: {  	[sflag:s0] =	ssyncadd.remote.s32 $0x1  }
0xbf: {  	_ =	sfence.sel $0xFFFF  }
0xc0: {  	[dreg:$0x0] =	wrdreg $0xFFFFFFFF;
	(pc) =	sbr.abs _section_cstart, $3  }
0xc1: {  	[dreg:$0x1] =	wrdreg $0xFFFFFFFF  }
0xc2: {  	_ =	task.clear_ibuf [dreg:s6], $0x2FFFF;
	_ =	strace $0x9FFFFFFF  }
0xc3: {  	(tm) =	ssettm $0x7FFFFFFF  }
tec
execute0_lowered:
.L_overlay_start_1:
0x0: {  	(tag) =	ssettag $0x1  }
0x1: {  	s6 =	rddreg [dreg:$0x0]  }
0x2: {  	s1 =	rddreg [dreg:$0x1]  }
0x3: {  	s2 =	rddreg [dreg:$0x2]  }
0x4: {  	s0 =	rddreg [dreg:$0x3];
	s4 =	simm.s32 $0x0;
	s3 =	stileid.u32  }
0x5: {  	s7 =	srdreg.scid;
	s20 =	simm.s32 $0x1;
	s8 =	smul.u32 $0x14000, s3  }
0x6: {  	s21 =	simm.s32 $0xA800;
	s22 =	simm.s32 $0x20;
	s11 =	smul.u32 $0x280, s3  }
0x7: {  	[smem:$0x7FF] =	sst s4;
	s5 =	sadd.s32 $0x24E00, s6;
	s25 =	smul.u32 $0x500, s3  }
0x8: {  	s7 =	sand.u32 $0x1, s7;
	s9 =	sshll.u32 s3, $0xC;
	s28 =	smul.u32 $0x50000, s3  }
0x9: {  	s31 =	sshll.u32 s3, $0x6;
	_ =	strace $0x8000004A;
	s10 =	sshll.u32 s7, $0xB  }
0xa: {  	s12 =	smul.u32 $0x140000, s7;
	s26 =	sshll.u32 s7, $0x7;
	s7 =	ssub.s32 $0x2, s7  }
0xb: {  	s9 =	sor.u32 s10, s9;
	s23 =	sshrl.u32 s8, $0x3;
	s14 =	sshrl.u32 s11, $0x3  }
0xc: {  	s10 =	sor.u32 s26, s25;
	s29 =	sshrl.u32 s7, $0x1;
	s30 =	sshrl.u32 s28, $0x2  }
0xd: {  	s19 =	sadd.s32 s11, s2;
	s13 =	sadd.s32 s9, s6;
	s24 =	sadd.s32 s23, s6  }
0xe: {  	s8 =	sadd.s32 s8, s12;
	s14 =	sadd.s32 s14, s6;
	s10 =	sshrl.u32 s10, $0x3  }
0xf: {  	s17 =	ssub.s32 s7, s29;
	s18 =	sadd.s32 s30, s1;
	s7 =	sor.u32 $0x1C02, s31  }
0x10: {  	s23 =	simm.s32 $0x10;
	s8 =	sshrl.u32 s8, $0x3;
	s16 =	sadd.s32 s10, s6  }
0x11: {  	s9 =	sadd.s32 $0x4E00, s13;
	s10 =	sadd.s32 $0x14E00, s13;
	s13 =	smax.u32 s17, $0x1  }
0x12: {  	s17 =	simm.s32 $0x4000;
	s15 =	sadd.s32 s8, s6;
	s6 =	sadd.s32 $0x4CE00, s24  }
0x13: {  	s8 =	sadd.s32 $0x74E00, s14;
	s12 =	sadd.s32 $0x75400, s16;
	s14 =	sshrl.u32 s18, $0x3  }
0x14: {  	s16 =	sshrl.u32 s19, $0x3;
	s18 =	simm.s32 $0x50;
	s19 =	simm.s32 $0x8000  }
0x15: {  	v0 =	vimm.f32 $1.000000000e+00;
	s24 =	simm.s32 $0x0;
	s11 =	sadd.s32 $0x75E00, s15;
	s15 =	simm.s32 $0x2  }
.LBB2_1:
0x16: {  	[spmem:s14], [sflag:s7] =	dma.local [hbm:s6], $0x2800  }
0x17: {  	_ =	swait.ge [sflag:s15], $0x2800  }
0x18: {  	[sflag:s15] =	ssyncset.done $0x0  }
0x19: {  	[sflag:s15] =	ssyncadd.s32 $0xFFFFD800  }
0x1a: {  	[spmem:s16], [sflag:s7] =	dma.local [hbm:s8], $0x50  }
0x1b: {  	_ =	swait.ge [sflag:s15], $0x50  }
0x1c: {  	[sflag:s15] =	ssyncset.done $0x0  }
0x1d: {  	[sflag:s15] =	ssyncadd.s32 $0xFFFFFFB0  }
0x1e: {  	[tilespmem:s4], [sflag:$0x2] =	stream.linear.gather [hbm4b:s9+s4], $0x3E80, $0x38;
	[tilespmem:$0x1EB00] =	vst v63  }
0x1f: {  	_ =	swait.ge [sflag:s15], $0x3E80  }
0x20: {  	[sflag:s15] =	ssyncset.done $0x0  }
0x21: {  	[sflag:s15] =	ssyncadd.s32 $0xFFFFC180  }
0x22: {  	[tilespmem:s17], [sflag:$0x2] =	stream.linear.gather [hbm4b:s10+s4], $0x3E80, $0x38;
	[tilespmem:$0x1EB00] =	vst v63  }
0x23: {  	_ =	swait.ge [sflag:s15], $0x3E80  }
0x24: {  	[sflag:s15] =	ssyncset.done $0x0  }
0x25: {  	[sflag:s15] =	ssyncadd.s32 $0xFFFFC180  }
0x26: {  	[tilespmem:$0xA800] =	vst v0  }
0x27: {  	[tilespmem:$0xA810] =	vst v0  }
0x28: {  	[tilespmem:$0xA820] =	vst v0  }
0x29: {  	[tilespmem:$0xA830] =	vst v0  }
0x2a: {  	[tilespmem:$0xA840] =	vst v0  }
0x2b: {  	s25 =	simm.s32 $0x0;
	[bflag:$0x0] =	sbarrier.arrive $0xFFFF  }
0x2c: {  	[tilespmem:s19], [sflag:$0x1] =	stream.indirect.gather [hbm4b:s5+s18], $0x80, s25, s18, $0xb8;
	[tilespmem:$0x1EB00] =	vst v63  }
0x2d: {  	_ =	swait.ge [sflag:s20], $0x2800  }
0x2e: {  	[sflag:s20] =	ssyncset.done $0x0  }
0x2f: {  	s31 =	simm.s32 $0x4000;
	[sflag:s20] =	ssyncadd.s32 $0xFFFFD800  }
0x30: {  	[spmem:s1] =	stream.indirect.scatter.add.f32 [tilespmem:s19], [sflag:$0x2], $0x80, s31, s18, $0xb8;
	[tilespmem:$0x1EB00] =	vst v63  }
0x31: {  	_ =	swait.ge [sflag:s15], $0x2800  }
0x32: {  	[sflag:s15] =	ssyncset.done $0x0  }
0x33: {  	[sflag:s15] =	ssyncadd.s32 $0xFFFFD800  }
0x34: {  	[spmem:s2] =	stream.indirect.scatter.add.f32 [tilespmem:s21], [sflag:$0x2], $0x1, s31, s18, $0xb8;
	[tilespmem:$0x1EB00] =	vst v63  }
0x35: {  	_ =	swait.ge [sflag:s15], $0x50  }
0x36: {  	s26 =	simm.s32 $0x400;
	s25 =	simm.s32 $0x200;
	[sflag:s15] =	ssyncset.done $0x0  }
.LBB2_2:
0x37: {  	s28 =	sshra.s32 s25, $0x2  }
0x38: {  	[sflag:s15] =	ssyncadd.s32 $0xFFFFFFB0;
	s25 =	smov.u32 s26;
	s29 =	sadd.s32 $0x200, s26  }
0x39: {  	[tilespmem:s19], [sflag:$0x1] =	stream.indirect.gather [hbm4b:s5+s18], $0x80, s28, s18, $0xb8;
	[tilespmem:$0x1EB00] =	vst v63  }
0x3a: {  	p0 =	sne.s32 s26, $0xF800;
	_ =	swait.ge [sflag:s20], $0x2800  }
0x3b: {  	[sflag:s20] =	ssyncset.done $0x0  }
0x3c: {  	s26 =	sadd.s32 $0x4000, s28;
	[sflag:s20] =	ssyncadd.s32 $0xFFFFD800  }
0x3d: {  	[spmem:s1] =	stream.indirect.scatter.add.f32 [tilespmem:s19], [sflag:$0x2], $0x80, s26, s18, $0xb8;
	[tilespmem:$0x1EB00] =	vst v63  }
0x3e: {  	_ =	swait.ge [sflag:s15], $0x2800  }
.Ltmp0:
0x3f: {  	[sflag:s15] =	ssyncset.done $0x0;
	(pc) =	sbr.rel @p0 .LBB2_2-.Ltmp0, $4  }
0x40: {  	[sflag:s15] =	ssyncadd.s32 $0xFFFFD800  }
0x41: {  	[spmem:s2] =	stream.indirect.scatter.add.f32 [tilespmem:s21], [sflag:$0x2], $0x1, s26, s18, $0xb8;
	[tilespmem:$0x1EB00] =	vst v63  }
0x42: {  	_ =	swait.ge [sflag:s15], $0x50  }
0x43: {  	s26 =	smov.u32 s29;
	[sflag:s15] =	ssyncset.done $0x0  }
0x44: {  	s25 =	sshra.s32 s25, $0x2;
	[sflag:s15] =	ssyncadd.s32 $0xFFFFFFB0  }
0x45: {  	[tilespmem:s19], [sflag:$0x1] =	stream.indirect.gather [hbm4b:s5+s18], $0x80, s25, s18, $0xb8;
	[tilespmem:$0x1EB00] =	vst v63  }
0x46: {  	_ =	swait.ge [sflag:s20], $0x2800  }
0x47: {  	[sflag:s20] =	ssyncset.done $0x0  }
0x48: {  	s25 =	sadd.s32 $0x4000, s25;
	[sflag:s20] =	ssyncadd.s32 $0xFFFFD800  }
0x49: {  	[spmem:s1] =	stream.indirect.scatter.add.f32 [tilespmem:s19], [sflag:$0x2], $0x80, s25, s18, $0xb8;
	[tilespmem:$0x1EB00] =	vst v63  }
0x4a: {  	_ =	swait.ge [sflag:s15], $0x2800  }
0x4b: {  	[sflag:s15] =	ssyncset.done $0x0  }
0x4c: {  	[sflag:s15] =	ssyncadd.s32 $0xFFFFD800  }
0x4d: {  	[spmem:s2] =	stream.indirect.scatter.add.f32 [tilespmem:s21], [sflag:$0x2], $0x1, s25, s18, $0xb8;
	[tilespmem:$0x1EB00] =	vst v63  }
0x4e: {  	_ =	swait.ge [sflag:s15], $0x50  }
0x4f: {  	[sflag:s15] =	ssyncset.done $0x0  }
0x50: {  	[sflag:s15] =	ssyncadd.s32 $0xFFFFFFB0  }
0x51: {  	[bflag:$0x0] =	sbarrier.arrive $0xFFFF  }
0x52: {  	[hbm:s11], [sflag:s7] =	dma.local [spmem:s14], $0x2800  }
0x53: {  	s24 =	sadd.s32 $0x1, s24;
	_ =	swait.ge [sflag:s15], $0x2800  }
0x54: {  	p0 =	sne.s32 s24, s13;
	[sflag:s15] =	ssyncset.done $0x0  }
.Ltmp1:
0x55: {  	[sflag:s15] =	ssyncadd.s32 $0xFFFFD800;
	(pc) =	sbr.rel @p0 .LBB2_1-.Ltmp1, $4  }
0x56: {  	[hbm:s12@s22], [sflag:s7] =	dma.strided [spmem:s16@s23], $0x50, s20, $0x10   }
0x57: {  	_ =	swait.ge [sflag:s15], $0x50  }
0x58: {  	[sflag:s15] =	ssyncset.done $0x0  }
0x59: {  	[sflag:s15] =	ssyncadd.s32 $0xFFFFFFB0  }
0x5a: {  	_ =	sfence.sel $0x180000  }
0x5b: {  	[bflag:$0x0] =	sbarrier.arrive $0xFFFF  }
0x5c: {  	p0 =	sne.s32 s3, $0x0;
	_ =	strace $0x9000004A  }
0x5d: {  	s0 =	sadd.s32 @!p0 $0x100000, s0;
	[bflag:$0x2] =	sbarrier.arrive $0xFFFF  }
0x5e: {  	[sflag:s0] =	ssyncadd.tile.s32 @!p0 $0x1;
	_ =	shalt  }
.Lfunc_end2:
_tile_overlayer_lowered:
.L_overlay_start_2:
0x5f: {  	(tag) =	ssettag $0x2  }
0x60: {  	s0 =	rddreg [dreg:$0x0];
	s2 =	stileid.u32  }
0x61: {  	s1 =	rddreg [dreg:$0x1];
	p0 =	sne.s32 s2, $0x0  }
0x62: {  	s3 =	rddreg [dreg:$0x2];
	[bflag:$0x3] =	sbarrier.arrive $0xFFFF;
	s2 =	simm.s32 @!p0 $0x1C02  }
0x63: {  	[timem:s3], [sflag:s2] =	dma.local @!p0 [hbm:s0], s1  }
0x64: {  	s0 =	simm.s32 @!p0 $0x2  }
0x65: {  	_ =	swait.ge @!p0 [sflag:s0], s1  }
0x66: {  	s1 =	ssub.s32 @!p0 $0x0, s1;
	[sflag:s0] =	ssyncset.done @!p0 $0x0  }
0x67: {  	[sflag:s0] =	ssyncadd.s32 @!p0 s1  }
0x68: {  	[bflag:$0x3] =	sbarrier.arrive $0xFFFF  }
0x69: {  	_ =	shalt  }

// kernel: kernel.14.cloned.1.call-start
scs
__scs_entry_jumppad:
0x0: {  	(pc) =	sbr.rel $0x88, $3  }
0x1: {  	(tag) =	ssettag $0x0;
	lr =	simm.s32 $0x1  }
0x2: {  	[smem:$0x3F8C] =	sst lr;
	_ =	strace $0xD0000000  }
0x3: {  	_ = 	snop  }
0x4: {  	_ = 	snop  }
0x5: {  	_ = 	snop  }
0x6: {  	_ = 	snop  }
0x7: {  	_ = 	snop  }
__scs_overlays_trampoline_lowered:
0x8: {  	[smem:$0x3F9B] =	sst s0  }
0x9: {  	[smem:$0x3F9C] =	sst s1  }
0xa: {  	[smem:$0x3F9D] =	sst s2  }
0xb: {  	[smem:$0x3F9E] =	sst s3  }
0xc: {  	[smem:$0x3F9F] =	sst s4  }
0xd: {  	[smem:$0x3FA0] =	sst s5  }
0xe: {  	[smem:$0x3FA1] =	sst s6  }
0xf: {  	[smem:$0x3FA2] =	sst s7  }
0x10: {  	[smem:$0x3FA3] =	sst s8  }
0x11: {  	[smem:$0x3FA4] =	sst s9;
	s0 =	simm.s32 @!p0 $0x0  }
0x12: {  	s1 =	sld [smem:$0x3F8A];
	s0 =	simm.s32 @p0 $0x1  }
0x13: {  	[smem:$0x3FA5] =	sst s0;
	s0 =	simm.s32 @!p1 $0x0  }
0x14: {  	s2 =	sld [smem:$0x3F89];
	s0 =	simm.s32 @p1 $0x1  }
0x15: {  	[smem:$0x3FA6] =	sst s0;
	s0 =	simm.s32 @!p2 $0x0  }
0x16: {  	s3 =	sld [smem:$0x3FDB];
	s0 =	simm.s32 @p2 $0x1  }
0x17: {  	s4 =	simm.s32 $0x1BF5;
	[smem:$0x3FA8] =	sst s0  }
0x18: {  	s0 =	sld [smem:$0x3F8B];
	_ =	swait.ge [sflag:s4], $0x0  }
0x19: {  	s7 =	sld [smem:$0x3F8C]  }
0x1a: {  	s8 =	sadd.s32 $0xFFFFE003, lr  }
0x1b: {  	s9 =	sadd.s32 $0xFFFFFEF7, lr;
	s5 =	simm.s32 $0xFFFFFFFF;
	p2 =	slt.u32 s8, $0xFFFFF086  }
0x1c: {  	p1 =	slt.u32 s9, $0xF7A;
	s5 =	simm.s32 @!p2 $0x0  }
0x1d: {  	s5 =	simm.s32 @p1 $0x1;
	p0 =	seq.s32 s7, s2  }
0x1e: {  	s7 =	smul.u32 @!p0 $0xF7A, s2;
	p2 =	seq.s32 @!p0 s5, $0x0  }
0x1f: {  	s9 =	smul.u32 $0xF7A, s1;
	s8 =	simm.s32 @!p0 $0x1BF5;
	p2 =	por !p2, p0  }
0x20: {  	[sflag:s8] =	ssyncset.s32 @!p0 $0xFFFFF086;
	s6 =	sadd.s32 @!p0 s3, s7;
	s7 =	simm.s32 @!p0 $0x108  }
0x21: {  	s3 =	sadd.s32 s3, s9;
	s6 =	sadd.s32 @!p0 $0x88, s6;
	s7 =	simm.s32 @p2 $0x1082  }
0x22: {  	[simem:s7], [sflag:s8] =	dma.local @!p0 [hbm:s6], $0xF7A  }
0x23: {  	s9 =	sor.u32 $0xD0000000, s2;
	s6 =	simm.s32 $0x108;
	_ =	swait.ge @!p0 [sflag:s8], $0x0  }
0x24: {  	s3 =	sadd.s32 $0x88, s3;
	s6 =	simm.s32 @!p1 $0x1082;
	[sflag:s4] =	ssyncset.s32 $0xFFFFF086  }
0x25: {  	[simem:s6], [sflag:s4] =	dma.local [hbm:s3], $0xF7A  }
0x26: {  	[smem:$0x3F8C] =	sst s1;
	(tag) =	ssettag s2;
	_ =	strace s9  }
0x27: {  	s1 =	sld [smem:$0x3F9C]  }
0x28: {  	s2 =	sld [smem:$0x3F9D]  }
0x29: {  	s4 =	sld [smem:$0x3F9F]  }
0x2a: {  	p0 =	seq.s32 s5, $0x0;
	s5 =	sld [smem:$0x3FA0]  }
0x2b: {  	s6 =	sld [smem:$0x3FA1]  }
0x2c: {  	s7 =	sld [smem:$0x3FA2]  }
0x2d: {  	s3 =	simm.s32 $0x108;
	s8 =	sld [smem:$0x3FA3]  }
0x2e: {  	s3 =	simm.s32 @!p0 $0x1082;
	s9 =	sld [smem:$0x3FA4]  }
0x2f: {  	lr =	sadd.s32 s0, s3;
	s0 =	sld [smem:$0x3F9B]  }
0x30: {  	s3 =	sld [smem:$0x3F9E]  }
0x31: {  	[smem:$0x3FA7] =	sst s10  }
0x32: {  	s10 =	sld [smem:$0x3FA5];
	_ =	sdelay $0x3  }
0x33: {  	p0 =	seq.s32 s10, $0x1;
	s10 =	sld [smem:$0x3FA7];
	_ =	sdelay $0x3  }
0x34: {  	[smem:$0x3FA7] =	sst s10  }
0x35: {  	s10 =	sld [smem:$0x3FA6];
	_ =	sdelay $0x3  }
0x36: {  	p1 =	seq.s32 s10, $0x1;
	s10 =	sld [smem:$0x3FA7];
	_ =	sdelay $0x3  }
0x37: {  	[smem:$0x3FA7] =	sst s10  }
0x38: {  	s10 =	sld [smem:$0x3FA8]  }
0x39: {  	_ = 	snop;
	(pc) =	sbr.ind lr, $3  }
0x3a: {  	_ = 	snop  }
0x3b: {  	_ = 	snop  }
0x3c: {  	p2 =	seq.s32 s10, $0x1;
	s10 =	sld [smem:$0x3FA7]  }
0x3d: {  	_ =	shalt  }
0x3e: {  	_ =	shalt  }
0x3f: {  	_ =	shalt  }
0x40: {  	_ =	shalt  }
0x41: {  	_ =	shalt  }
0x42: {  	_ =	shalt  }
0x43: {  	_ =	shalt  }
0x44: {  	_ =	shalt  }
0x45: {  	_ =	shalt  }
0x46: {  	_ =	shalt  }
0x47: {  	_ =	shalt  }
0x48: {  	_ =	shalt  }
0x49: {  	_ =	shalt  }
0x4a: {  	_ =	shalt  }
0x4b: {  	_ =	shalt  }
0x4c: {  	_ =	shalt  }
0x4d: {  	_ =	shalt  }
0x4e: {  	_ =	shalt  }
0x4f: {  	_ =	shalt  }
0x50: {  	_ =	shalt  }
0x51: {  	_ =	shalt  }
0x52: {  	_ =	shalt  }
0x53: {  	_ =	shalt  }
0x54: {  	_ =	shalt  }
0x55: {  	_ =	shalt  }
0x56: {  	_ =	shalt  }
0x57: {  	_ =	shalt  }
0x58: {  	_ =	shalt  }
0x59: {  	_ =	shalt  }
0x5a: {  	_ =	shalt  }
0x5b: {  	_ =	shalt  }
0x5c: {  	_ =	shalt  }
0x5d: {  	_ =	shalt  }
0x5e: {  	_ =	shalt  }
0x5f: {  	_ =	shalt  }
0x60: {  	_ =	shalt  }
0x61: {  	_ =	shalt  }
0x62: {  	_ =	shalt  }
0x63: {  	_ =	shalt  }
0x64: {  	_ =	shalt  }
0x65: {  	_ =	shalt  }
0x66: {  	_ =	shalt  }
0x67: {  	_ =	shalt  }
0x68: {  	_ =	shalt  }
0x69: {  	_ =	shalt  }
0x6a: {  	_ =	shalt  }
0x6b: {  	_ =	shalt  }
0x6c: {  	_ =	shalt  }
0x6d: {  	_ =	shalt  }
0x6e: {  	_ =	shalt  }
0x6f: {  	_ =	shalt  }
0x70: {  	_ =	shalt  }
0x71: {  	_ =	shalt  }
0x72: {  	_ =	shalt  }
0x73: {  	_ =	shalt  }
0x74: {  	_ =	shalt  }
0x75: {  	_ =	shalt  }
0x76: {  	_ =	shalt  }
0x77: {  	_ =	shalt  }
0x78: {  	_ =	shalt  }
0x79: {  	_ =	shalt  }
0x7a: {  	_ =	shalt  }
0x7b: {  	_ =	shalt  }
0x7c: {  	_ =	shalt  }
0x7d: {  	_ =	shalt  }
0x7e: {  	_ =	shalt  }
0x7f: {  	_ =	shalt  }
0x80: {  	_ =	shalt  }
0x81: {  	_ =	shalt  }
0x82: {  	_ =	shalt  }
0x83: {  	_ =	shalt  }
0x84: {  	_ =	shalt  }
0x85: {  	_ =	shalt  }
0x86: {  	_ =	shalt  }
0x87: {  	_ =	shalt  }
.Lfunc_end0:
.L_simem_size_0:
called_computation.2_lowered:
.L_overlay_start_0:
0x88: {  	s2 =	sld [smem:$0x3FD9]  }
0x89: {  	s3 =	sld [smem:$0x3FFE];
	_ =	sdelay $0x1  }
0x8a: {  	s1 =	srdreg.scid  }
0x8b: {  	s0 =	sand.u32 $0x1, s1  }
0x8c: {  	s16 =	sshll.u32 s0, $0xA;
	s2 =	sadd.s32 s3, s2  }
0x8d: {  	s2 =	sadd.s32 s2, s16  }
0x8e: {  	[smem:$0x3FB3] =	sst s2  }
0x8f: {  	_ = 	snop  }
0x90: {  	(tm) =	ssettm $0x1  }
0x91: {  	s17 =	sld [smem:$0x3FFB];
	_ =	sdelay $0x3  }
0x92: {  	_ =	strace s17  }
0x93: {  	s2 =	sld [smem:$0x3FFC];
	_ =	sdelay $0x3  }
0x94: {  	_ =	strace s2  }
0x95: {  	s2 =	sld [smem:$0x3FFD];
	_ =	sdelay $0x3  }
0x96: {  	_ =	strace s2  }
0x97: {  	_ =	strace $0x8FFFFFFF  }
0x98: {  	s18 =	sld [smem:$0x3FDB];
	_ =	sdelay $0x1  }
0x99: {  	s19 =	simm.s32 $_scs_section_size  }
0x9a: {  	s4 =	simm.s32 $_size__tile_overlayer_lowered;
	s5 =	simm.s32 $_tile_overlayer_lowered  }
0x9b: {  	s22 =	simm.s32 $0x1BFF;
	s21 =	sshll.u32 s5, $0x1;
	s2 =	sadd.s32 s19, s18  }
0x9c: {  	s6 =	simm.s32 $0x0;
	s20 =	sshll.u32 s4, $0x1;
	s4 =	sadd.s32 s21, s2  }
0x9d: {  	[timem:s6], [sflag:s22] =	dma.local [hbm:s4], s20  }
0x9e: {  	_ =	swait.ge [sflag:s22], s20  }
0x9f: {  	s3 =	ssub.s32 $0x0, s20;
	[sflag:s22] =	ssyncset.done $0x0  }
0xa0: {  	[sflag:s22] =	ssyncadd.s32 s3;
	_ =	sdelay $0x1  }
0xa1: {  	s23 =	simm.s32 $0x1B8B  }
0xa2: {  	_ =	swait.ge [sflag:s23], $0x1  }
0xa3: {  	[sflag:s23] =	ssyncset.done $0x0  }
0xa4: {  	s25 =	simm.s32 $0x1B8E;
	s24 =	sld [smem:$0x3FFE];
	[sflag:s23] =	ssyncadd.s32 $0xFFFFFFFF  }
0xa5: {  	s26 =	simm.s32 $execute0_lowered;
	[smem:$0x3FD2] =	sst s25  }
0xa6: {  	s4 =	sshll.u32 s26, $0x1;
	_ =	strace $0x8000004C;
	[dreg:$0x1] =	wrdreg $0xFFFFFFFF  }
0xa7: {  	s28 =	simm.s32 $_size_execute0_lowered;
	s2 =	sadd.s32 s2, s4;
	[dreg:$0x0] =	wrdreg $0x0  }
0xa8: {  	s4 =	sshll.u32 s28, $0x1;
	[dreg:$0x2] =	wrdreg s2  }
0xa9: {  	[dreg:$0x3] =	wrdreg s4  }
0xaa: {  	[dreg:$0x4] =	wrdreg $0xC0  }
0xab: {  	_ =	task [dreg:s6], $0x5FFFF  }
0xac: {  	[dreg:$0x1] =	wrdreg $0xFFFFFFFF  }
0xad: {  	[dreg:$0x0] =	wrdreg $0x60  }
0xae: {  	[dreg:$0x2] =	wrdreg s24  }
0xaf: {  	[dreg:$0x3] =	wrdreg $0x9  }
0xb0: {  	_ =	task.clear_ibuf [dreg:s6], $0x4FFFF;
	_ =	strace $0x9000004C  }
0xb1: {  	s29 =	simm.s32 $0x9;
	_ =	strace $0x8000004E  }
0xb2: {  	_ =	swait.ge [sflag:s29], $0x1  }
0xb3: {  	[sflag:s29] =	ssyncadd.s32 $0xFFFFFFFF  }
0xb4: {  	_ =	strace $0x9000004E  }
0xb5: {  	_ =	sfence  }
0xb6: {  	s30 =	sld [smem:$0x0];
	_ =	sdelay $0x2  }
0xb7: {  	s31 =	sshll.u32 s1, $0xD;
	s1 =	sshrl.u32 s1, $0x2  }
0xb8: {  	s3 =	sand.u32 $0x4000, s31;
	s1 =	sadd.s32 s1, s30  }
0xb9: {  	s0 =	sor.u32 s3, s0;
	s1 =	sshll.u32 s1, $0x11  }
0xba: {  	s0 =	sor.u32 s1, s0  }
0xbb: {  	s0 =	sadd.s32 $0x8F2B, s0  }
0xbc: {  	[sflag:s0] =	ssyncadd.remote.s32 $0x1  }
0xbd: {  	_ =	sfence.sel $0xFFFF  }
0xbe: {  	[dreg:$0x0] =	wrdreg $0xFFFFFFFF;
	(pc) =	sbr.abs _section_cstart, $3  }
0xbf: {  	[dreg:$0x1] =	wrdreg $0xFFFFFFFF  }
0xc0: {  	_ =	task.clear_ibuf [dreg:s6], $0x2FFFF;
	_ =	strace $0x9FFFFFFF  }
0xc1: {  	(tm) =	ssettm $0x7FFFFFFF  }
tec
execute0_lowered:
.L_overlay_start_1:
0x0: {  	(tag) =	ssettag $0x1  }
0x1: {  	s1 =	srdreg.scid  }
0x2: {  	s0 =	stileid.u32;
	s10 =	sand.u32 $0x1, s1  }
0x3: {  	s30 =	sshll.u32 s0, $0x9;
	s2 =	sshll.u32 s10, $0x8  }
0x4: {  	s9 =	rddreg [dreg:$0x0];
	s11 =	sor.u32 s2, s30  }
0x5: {  	s1 =	rddreg [dreg:$0x1];
	s2 =	simm.s32 $0x0;
	s3 =	sshrl.u32 s11, $0x3  }
0x6: {  	[smem:$0x7FF] =	sst s2;
	s3 =	sadd.s32 s3, s9  }
0x7: {  	_ =	strace $0x8000004D;
	s4 =	sadd.s32 $0xC5E00, s3;
	s3 =	simm.s32 $0x2  }
0x8: {  	[tilespmem:s2], [sflag:$0x2] =	stream.linear.gather [hbm4b:s4+s2], $0x100, $0x38;
	[tilespmem:$0x4100] =	vst v63  }
0x9: {  	_ =	swait.ge [sflag:s3], $0x100  }
0xa: {  	s6 =	simm.s32 $0x80;
	s7 =	simm.s32 $0x100;
	[sflag:s3] =	ssyncset.done $0x0  }
0xb: {  	s8 =	simm.s32 $0x1;
	s5 =	sadd.s32 $0x4E00, s9;
	[sflag:s3] =	ssyncadd.s32 $0xFFFFFF00  }
0xc: {  	[tilespmem:s7], [sflag:$0x1] =	stream.indirect.gather [hbm4b:s5+s6], $0x80, s2, s6, $0xb8;
	[tilespmem:$0x4100] =	vst v63  }
0xd: {  	s11 =	sshll.u32 s11, $0x4;
	_ =	swait.ge [sflag:s8], $0x4000  }
0xe: {  	s11 =	sadd.s32 s11, s9;
	[sflag:s8] =	ssyncset.done $0x0  }
0xf: {  	s10 =	ssub.s32 $0x2, s10;
	s9 =	sadd.s32 $0x2CE00, s11;
	[sflag:s8] =	ssyncadd.s32 $0xFFFFC000  }
0x10: {  	[hbm4b:s9+s2] =	stream.linear.scatter [tilespmem:s7], [sflag:$0x2], $0x4000, $0x38;
	[tilespmem:$0x4100] =	vst v63  }
0x11: {  	s12 =	sshrl.u32 s10, $0x1;
	_ =	swait.ge [sflag:s3], $0x4000  }
0x12: {  	s12 =	ssub.s32 s10, s12;
	[sflag:s3] =	ssyncset.done $0x0  }
0x13: {  	s31 =	smax.u32 s12, $0x1;
	[sflag:s3] =	ssyncadd.s32 $0xFFFFC000  }
0x14: {  	[tilespmem:s7], [sflag:$0x1] =	stream.indirect.gather [hbm4b:s5+s6], $0x80, s6, s6, $0xb8;
	[tilespmem:$0x4100] =	vst v63  }
0x15: {  	p0 =	sne.s32 s31, $0x1;
	_ =	swait.ge [sflag:s8], $0x4000  }
.Ltmp0:
0x16: {  	[sflag:s8] =	ssyncset.done $0x0;
	(pc) =	sbr.rel @!p0 .LBB2_2-.Ltmp0, $4  }
0x17: {  	s10 =	sadd.s32 $0x2D600, s11;
	[sflag:s8] =	ssyncadd.s32 $0xFFFFC000  }
0x18: {  	[hbm4b:s10+s2] =	stream.linear.scatter [tilespmem:s7], [sflag:$0x2], $0x4000, $0x38;
	[tilespmem:$0x4100] =	vst v63  }
0x19: {  	_ =	swait.ge [sflag:s3], $0x4000  }
0x1a: {  	s11 =	sadd.s32 $0xFFFFFFFF, s31;
	[sflag:s3] =	ssyncset.done $0x0  }
.LBB2_1:
0x1b: {  	p0 =	sne.s32 s11, $0x1;
	s11 =	sadd.s32 $0xFFFFFFFF, s11;
	[sflag:s3] =	ssyncadd.s32 $0xFFFFC000  }
0x1c: {  	[tilespmem:s2], [sflag:$0x2] =	stream.linear.gather [hbm4b:s4+s2], $0x100, $0x38;
	[tilespmem:$0x4100] =	vst v63  }
0x1d: {  	_ =	swait.ge [sflag:s3], $0x100  }
0x1e: {  	[sflag:s3] =	ssyncset.done $0x0  }
0x1f: {  	[sflag:s3] =	ssyncadd.s32 $0xFFFFFF00  }
0x20: {  	[tilespmem:s7], [sflag:$0x1] =	stream.indirect.gather [hbm4b:s5+s6], $0x80, s2, s6, $0xb8;
	[tilespmem:$0x4100] =	vst v63  }
0x21: {  	_ =	swait.ge [sflag:s8], $0x4000  }
0x22: {  	[sflag:s8] =	ssyncset.done $0x0  }
0x23: {  	[sflag:s8] =	ssyncadd.s32 $0xFFFFC000  }
0x24: {  	[hbm4b:s9+s2] =	stream.linear.scatter [tilespmem:s7], [sflag:$0x2], $0x4000, $0x38;
	[tilespmem:$0x4100] =	vst v63  }
0x25: {  	_ =	swait.ge [sflag:s3], $0x4000  }
0x26: {  	[sflag:s3] =	ssyncset.done $0x0  }
0x27: {  	[sflag:s3] =	ssyncadd.s32 $0xFFFFC000  }
0x28: {  	[tilespmem:s7], [sflag:$0x1] =	stream.indirect.gather [hbm4b:s5+s6], $0x80, s6, s6, $0xb8;
	[tilespmem:$0x4100] =	vst v63  }
0x29: {  	_ =	swait.ge [sflag:s8], $0x4000  }
.Ltmp1:
0x2a: {  	[sflag:s8] =	ssyncset.done $0x0;
	(pc) =	sbr.rel @p0 .LBB2_1-.Ltmp1, $4  }
0x2b: {  	[sflag:s8] =	ssyncadd.s32 $0xFFFFC000  }
0x2c: {  	[hbm4b:s10+s2] =	stream.linear.scatter [tilespmem:s7], [sflag:$0x2], $0x4000, $0x38;
	[tilespmem:$0x4100] =	vst v63  }
0x2d: {  	_ =	swait.ge [sflag:s3], $0x4000  }
0x2e: {  	[sflag:s3] =	ssyncset.done $0x0  }
.LBB2_2:
0x2f: {  	[sflag:s3] =	ssyncadd.s32 $0xFFFFC000  }
0x30: {  	_ =	sfence.sel $0x180000  }
0x31: {  	[bflag:$0x0] =	sbarrier.arrive $0xFFFF  }
0x32: {  	p0 =	sne.s32 s0, $0x0;
	_ =	strace $0x9000004D  }
0x33: {  	s0 =	sadd.s32 @!p0 $0x100000, s1;
	[bflag:$0x2] =	sbarrier.arrive $0xFFFF  }
0x34: {  	[sflag:s0] =	ssyncadd.tile.s32 @!p0 $0x1;
	_ =	shalt  }
.Lfunc_end2:
_tile_overlayer_lowered:
.L_overlay_start_2:
0x35: {  	(tag) =	ssettag $0x2  }
0x36: {  	s0 =	rddreg [dreg:$0x0];
	s2 =	stileid.u32  }
0x37: {  	s1 =	rddreg [dreg:$0x1];
	p0 =	sne.s32 s2, $0x0  }
0x38: {  	s3 =	rddreg [dreg:$0x2];
	[bflag:$0x3] =	sbarrier.arrive $0xFFFF;
	s2 =	simm.s32 @!p0 $0x1C02  }
0x39: {  	[timem:s3], [sflag:s2] =	dma.local @!p0 [hbm:s0], s1  }
0x3a: {  	s0 =	simm.s32 @!p0 $0x2  }
0x3b: {  	_ =	swait.ge @!p0 [sflag:s0], s1  }
0x3c: {  	s1 =	ssub.s32 @!p0 $0x0, s1;
	[sflag:s0] =	ssyncset.done @!p0 $0x0  }
0x3d: {  	[sflag:s0] =	ssyncadd.s32 @!p0 s1  }
0x3e: {  	[bflag:$0x3] =	sbarrier.arrive $0xFFFF  }
0x3f: {  	_ =	shalt  }

// kernel: kernel.8.cloned.1.call-start
scs
__scs_entry_jumppad:
0x0: {  	(pc) =	sbr.rel $0x88, $3  }
0x1: {  	(tag) =	ssettag $0x0;
	lr =	simm.s32 $0x1  }
0x2: {  	[smem:$0x3F8C] =	sst lr;
	_ =	strace $0xD0000000  }
0x3: {  	_ = 	snop  }
0x4: {  	_ = 	snop  }
0x5: {  	_ = 	snop  }
0x6: {  	_ = 	snop  }
0x7: {  	_ = 	snop  }
__scs_overlays_trampoline_lowered:
0x8: {  	[smem:$0x3F9B] =	sst s0  }
0x9: {  	[smem:$0x3F9C] =	sst s1  }
0xa: {  	[smem:$0x3F9D] =	sst s2  }
0xb: {  	[smem:$0x3F9E] =	sst s3  }
0xc: {  	[smem:$0x3F9F] =	sst s4  }
0xd: {  	[smem:$0x3FA0] =	sst s5  }
0xe: {  	[smem:$0x3FA1] =	sst s6  }
0xf: {  	[smem:$0x3FA2] =	sst s7  }
0x10: {  	[smem:$0x3FA3] =	sst s8  }
0x11: {  	[smem:$0x3FA4] =	sst s9;
	s0 =	simm.s32 @!p0 $0x0  }
0x12: {  	s1 =	sld [smem:$0x3F8A];
	s0 =	simm.s32 @p0 $0x1  }
0x13: {  	[smem:$0x3FA5] =	sst s0;
	s0 =	simm.s32 @!p1 $0x0  }
0x14: {  	s2 =	sld [smem:$0x3F89];
	s0 =	simm.s32 @p1 $0x1  }
0x15: {  	[smem:$0x3FA6] =	sst s0;
	s0 =	simm.s32 @!p2 $0x0  }
0x16: {  	s3 =	sld [smem:$0x3FDB];
	s0 =	simm.s32 @p2 $0x1  }
0x17: {  	s4 =	simm.s32 $0x1BF5;
	[smem:$0x3FA8] =	sst s0  }
0x18: {  	s0 =	sld [smem:$0x3F8B];
	_ =	swait.ge [sflag:s4], $0x0  }
0x19: {  	s7 =	sld [smem:$0x3F8C]  }
0x1a: {  	s8 =	sadd.s32 $0xFFFFE003, lr  }
0x1b: {  	s9 =	sadd.s32 $0xFFFFFEF7, lr;
	s5 =	simm.s32 $0xFFFFFFFF;
	p2 =	slt.u32 s8, $0xFFFFF086  }
0x1c: {  	p1 =	slt.u32 s9, $0xF7A;
	s5 =	simm.s32 @!p2 $0x0  }
0x1d: {  	s5 =	simm.s32 @p1 $0x1;
	p0 =	seq.s32 s7, s2  }
0x1e: {  	s7 =	smul.u32 @!p0 $0xF7A, s2;
	p2 =	seq.s32 @!p0 s5, $0x0  }
0x1f: {  	s9 =	smul.u32 $0xF7A, s1;
	s8 =	simm.s32 @!p0 $0x1BF5;
	p2 =	por !p2, p0  }
0x20: {  	[sflag:s8] =	ssyncset.s32 @!p0 $0xFFFFF086;
	s6 =	sadd.s32 @!p0 s3, s7;
	s7 =	simm.s32 @!p0 $0x108  }
0x21: {  	s3 =	sadd.s32 s3, s9;
	s6 =	sadd.s32 @!p0 $0x88, s6;
	s7 =	simm.s32 @p2 $0x1082  }
0x22: {  	[simem:s7], [sflag:s8] =	dma.local @!p0 [hbm:s6], $0xF7A  }
0x23: {  	s9 =	sor.u32 $0xD0000000, s2;
	s6 =	simm.s32 $0x108;
	_ =	swait.ge @!p0 [sflag:s8], $0x0  }
0x24: {  	s3 =	sadd.s32 $0x88, s3;
	s6 =	simm.s32 @!p1 $0x1082;
	[sflag:s4] =	ssyncset.s32 $0xFFFFF086  }
0x25: {  	[simem:s6], [sflag:s4] =	dma.local [hbm:s3], $0xF7A  }
0x26: {  	[smem:$0x3F8C] =	sst s1;
	(tag) =	ssettag s2;
	_ =	strace s9  }
0x27: {  	s1 =	sld [smem:$0x3F9C]  }
0x28: {  	s2 =	sld [smem:$0x3F9D]  }
0x29: {  	s4 =	sld [smem:$0x3F9F]  }
0x2a: {  	p0 =	seq.s32 s5, $0x0;
	s5 =	sld [smem:$0x3FA0]  }
0x2b: {  	s6 =	sld [smem:$0x3FA1]  }
0x2c: {  	s7 =	sld [smem:$0x3FA2]  }
0x2d: {  	s3 =	simm.s32 $0x108;
	s8 =	sld [smem:$0x3FA3]  }
0x2e: {  	s3 =	simm.s32 @!p0 $0x1082;
	s9 =	sld [smem:$0x3FA4]  }
0x2f: {  	lr =	sadd.s32 s0, s3;
	s0 =	sld [smem:$0x3F9B]  }
0x30: {  	s3 =	sld [smem:$0x3F9E]  }
0x31: {  	[smem:$0x3FA7] =	sst s10  }
0x32: {  	s10 =	sld [smem:$0x3FA5];
	_ =	sdelay $0x3  }
0x33: {  	p0 =	seq.s32 s10, $0x1;
	s10 =	sld [smem:$0x3FA7];
	_ =	sdelay $0x3  }
0x34: {  	[smem:$0x3FA7] =	sst s10  }
0x35: {  	s10 =	sld [smem:$0x3FA6];
	_ =	sdelay $0x3  }
0x36: {  	p1 =	seq.s32 s10, $0x1;
	s10 =	sld [smem:$0x3FA7];
	_ =	sdelay $0x3  }
0x37: {  	[smem:$0x3FA7] =	sst s10  }
0x38: {  	s10 =	sld [smem:$0x3FA8]  }
0x39: {  	_ = 	snop;
	(pc) =	sbr.ind lr, $3  }
0x3a: {  	_ = 	snop  }
0x3b: {  	_ = 	snop  }
0x3c: {  	p2 =	seq.s32 s10, $0x1;
	s10 =	sld [smem:$0x3FA7]  }
0x3d: {  	_ =	shalt  }
0x3e: {  	_ =	shalt  }
0x3f: {  	_ =	shalt  }
0x40: {  	_ =	shalt  }
0x41: {  	_ =	shalt  }
0x42: {  	_ =	shalt  }
0x43: {  	_ =	shalt  }
0x44: {  	_ =	shalt  }
0x45: {  	_ =	shalt  }
0x46: {  	_ =	shalt  }
0x47: {  	_ =	shalt  }
0x48: {  	_ =	shalt  }
0x49: {  	_ =	shalt  }
0x4a: {  	_ =	shalt  }
0x4b: {  	_ =	shalt  }
0x4c: {  	_ =	shalt  }
0x4d: {  	_ =	shalt  }
0x4e: {  	_ =	shalt  }
0x4f: {  	_ =	shalt  }
0x50: {  	_ =	shalt  }
0x51: {  	_ =	shalt  }
0x52: {  	_ =	shalt  }
0x53: {  	_ =	shalt  }
0x54: {  	_ =	shalt  }
0x55: {  	_ =	shalt  }
0x56: {  	_ =	shalt  }
0x57: {  	_ =	shalt  }
0x58: {  	_ =	shalt  }
0x59: {  	_ =	shalt  }
0x5a: {  	_ =	shalt  }
0x5b: {  	_ =	shalt  }
0x5c: {  	_ =	shalt  }
0x5d: {  	_ =	shalt  }
0x5e: {  	_ =	shalt  }
0x5f: {  	_ =	shalt  }
0x60: {  	_ =	shalt  }
0x61: {  	_ =	shalt  }
0x62: {  	_ =	shalt  }
0x63: {  	_ =	shalt  }
0x64: {  	_ =	shalt  }
0x65: {  	_ =	shalt  }
0x66: {  	_ =	shalt  }
0x67: {  	_ =	shalt  }
0x68: {  	_ =	shalt  }
0x69: {  	_ =	shalt  }
0x6a: {  	_ =	shalt  }
0x6b: {  	_ =	shalt  }
0x6c: {  	_ =	shalt  }
0x6d: {  	_ =	shalt  }
0x6e: {  	_ =	shalt  }
0x6f: {  	_ =	shalt  }
0x70: {  	_ =	shalt  }
0x71: {  	_ =	shalt  }
0x72: {  	_ =	shalt  }
0x73: {  	_ =	shalt  }
0x74: {  	_ =	shalt  }
0x75: {  	_ =	shalt  }
0x76: {  	_ =	shalt  }
0x77: {  	_ =	shalt  }
0x78: {  	_ =	shalt  }
0x79: {  	_ =	shalt  }
0x7a: {  	_ =	shalt  }
0x7b: {  	_ =	shalt  }
0x7c: {  	_ =	shalt  }
0x7d: {  	_ =	shalt  }
0x7e: {  	_ =	shalt  }
0x7f: {  	_ =	shalt  }
0x80: {  	_ =	shalt  }
0x81: {  	_ =	shalt  }
0x82: {  	_ =	shalt  }
0x83: {  	_ =	shalt  }
0x84: {  	_ =	shalt  }
0x85: {  	_ =	shalt  }
0x86: {  	_ =	shalt  }
0x87: {  	_ =	shalt  }
.Lfunc_end0:
.L_simem_size_0:
called_computation_lowered:
.L_overlay_start_0:
0x88: {  	s2 =	sld [smem:$0x3FD9]  }
0x89: {  	s3 =	sld [smem:$0x3FFE];
	_ =	sdelay $0x1  }
0x8a: {  	s1 =	srdreg.scid  }
0x8b: {  	s0 =	sand.u32 $0x1, s1  }
0x8c: {  	s16 =	sshll.u32 s0, $0xA;
	s2 =	sadd.s32 s3, s2  }
0x8d: {  	s2 =	sadd.s32 s2, s16  }
0x8e: {  	[smem:$0x3FB3] =	sst s2  }
0x8f: {  	_ = 	snop  }
0x90: {  	(tm) =	ssettm $0x1  }
0x91: {  	s17 =	sld [smem:$0x3FFB];
	_ =	sdelay $0x3  }
0x92: {  	_ =	strace s17  }
0x93: {  	s2 =	sld [smem:$0x3FFC];
	_ =	sdelay $0x3  }
0x94: {  	_ =	strace s2  }
0x95: {  	s2 =	sld [smem:$0x3FFD];
	_ =	sdelay $0x3  }
0x96: {  	_ =	strace s2  }
0x97: {  	_ =	strace $0x8FFFFFFF  }
0x98: {  	s18 =	sld [smem:$0x3FDB];
	_ =	sdelay $0x1  }
0x99: {  	s19 =	simm.s32 $_scs_section_size  }
0x9a: {  	s4 =	simm.s32 $_size__tile_overlayer_lowered;
	s5 =	simm.s32 $_tile_overlayer_lowered  }
0x9b: {  	s22 =	simm.s32 $0x1BFF;
	s21 =	sshll.u32 s5, $0x1;
	s2 =	sadd.s32 s19, s18  }
0x9c: {  	s6 =	simm.s32 $0x0;
	s20 =	sshll.u32 s4, $0x1;
	s4 =	sadd.s32 s21, s2  }
0x9d: {  	[timem:s6], [sflag:s22] =	dma.local [hbm:s4], s20  }
0x9e: {  	_ =	swait.ge [sflag:s22], s20  }
0x9f: {  	s3 =	ssub.s32 $0x0, s20;
	[sflag:s22] =	ssyncset.done $0x0  }
0xa0: {  	[sflag:s22] =	ssyncadd.s32 s3;
	_ =	sdelay $0x1  }
0xa1: {  	s23 =	simm.s32 $0x1B8B  }
0xa2: {  	_ =	swait.ge [sflag:s23], $0x1  }
0xa3: {  	[sflag:s23] =	ssyncset.done $0x0  }
0xa4: {  	s25 =	simm.s32 $0x1B8E;
	s24 =	sld [smem:$0x3FFE];
	[sflag:s23] =	ssyncadd.s32 $0xFFFFFFFF  }
0xa5: {  	s26 =	simm.s32 $execute0_lowered;
	[smem:$0x3FD2] =	sst s25  }
0xa6: {  	s4 =	sshll.u32 s26, $0x1;
	_ =	strace $0x80000046;
	[dreg:$0x1] =	wrdreg $0xFFFFFFFF  }
0xa7: {  	s28 =	simm.s32 $_size_execute0_lowered;
	s2 =	sadd.s32 s2, s4;
	[dreg:$0x0] =	wrdreg $0x0  }
0xa8: {  	s4 =	sshll.u32 s28, $0x1;
	[dreg:$0x2] =	wrdreg s2  }
0xa9: {  	[dreg:$0x3] =	wrdreg s4  }
0xaa: {  	[dreg:$0x4] =	wrdreg $0xC0  }
0xab: {  	_ =	task [dreg:s6], $0x5FFFF  }
0xac: {  	[dreg:$0x1] =	wrdreg $0xFFFFFFFF  }
0xad: {  	[dreg:$0x0] =	wrdreg $0x60  }
0xae: {  	[dreg:$0x2] =	wrdreg s24  }
0xaf: {  	[dreg:$0x3] =	wrdreg $0xA8800  }
0xb0: {  	[dreg:$0x4] =	wrdreg $0x1E8800  }
0xb1: {  	[dreg:$0x5] =	wrdreg $0x9  }
0xb2: {  	_ =	task.clear_ibuf [dreg:s6], $0x6FFFF;
	_ =	strace $0x90000046  }
0xb3: {  	s29 =	simm.s32 $0x9;
	_ =	strace $0x80000048  }
0xb4: {  	_ =	swait.ge [sflag:s29], $0x1  }
0xb5: {  	[sflag:s29] =	ssyncadd.s32 $0xFFFFFFFF  }
0xb6: {  	_ =	strace $0x90000048  }
0xb7: {  	_ =	sfence  }
0xb8: {  	s30 =	sld [smem:$0x0];
	_ =	sdelay $0x2  }
0xb9: {  	s31 =	sshll.u32 s1, $0xD;
	s1 =	sshrl.u32 s1, $0x2  }
0xba: {  	s3 =	sand.u32 $0x4000, s31;
	s1 =	sadd.s32 s1, s30  }
0xbb: {  	s0 =	sor.u32 s3, s0;
	s1 =	sshll.u32 s1, $0x11  }
0xbc: {  	s0 =	sor.u32 s1, s0  }
0xbd: {  	s0 =	sadd.s32 $0x8F2B, s0  }
0xbe: {  	[sflag:s0] =	ssyncadd.remote.s32 $0x1  }
0xbf: {  	_ =	sfence.sel $0xFFFF  }
0xc0: {  	[dreg:$0x0] =	wrdreg $0xFFFFFFFF;
	(pc) =	sbr.abs _section_cstart, $3  }
0xc1: {  	[dreg:$0x1] =	wrdreg $0xFFFFFFFF  }
0xc2: {  	_ =	task.clear_ibuf [dreg:s6], $0x2FFFF;
	_ =	strace $0x9FFFFFFF  }
0xc3: {  	(tm) =	ssettm $0x7FFFFFFF  }
tec
execute0_lowered:
.L_overlay_start_1:
0x0: {  	(tag) =	ssettag $0x1  }
0x1: {  	s6 =	rddreg [dreg:$0x0]  }
0x2: {  	s1 =	rddreg [dreg:$0x1]  }
0x3: {  	s2 =	rddreg [dreg:$0x2]  }
0x4: {  	s0 =	rddreg [dreg:$0x3];
	s4 =	simm.s32 $0x0;
	s3 =	stileid.u32  }
0x5: {  	s7 =	srdreg.scid;
	s20 =	simm.s32 $0x1;
	s8 =	smul.u32 $0x14000, s3  }
0x6: {  	s21 =	simm.s32 $0xA800;
	s22 =	simm.s32 $0x20;
	s11 =	smul.u32 $0x280, s3  }
0x7: {  	[smem:$0x7FF] =	sst s4;
	s5 =	sadd.s32 $0x24E00, s6;
	s25 =	smul.u32 $0x500, s3  }
0x8: {  	s7 =	sand.u32 $0x1, s7;
	s9 =	sshll.u32 s3, $0xC;
	s28 =	smul.u32 $0x50000, s3  }
0x9: {  	s31 =	sshll.u32 s3, $0x6;
	_ =	strace $0x80000047;
	s10 =	sshll.u32 s7, $0xB  }
0xa: {  	s12 =	smul.u32 $0x140000, s7;
	s26 =	sshll.u32 s7, $0x7;
	s7 =	ssub.s32 $0x2, s7  }
0xb: {  	s9 =	sor.u32 s10, s9;
	s23 =	sshrl.u32 s8, $0x3;
	s14 =	sshrl.u32 s11, $0x3  }
0xc: {  	s10 =	sor.u32 s26, s25;
	s29 =	sshrl.u32 s7, $0x1;
	s30 =	sshrl.u32 s28, $0x2  }
0xd: {  	s19 =	sadd.s32 s11, s2;
	s13 =	sadd.s32 s9, s6;
	s24 =	sadd.s32 s23, s6  }
0xe: {  	s8 =	sadd.s32 s8, s12;
	s14 =	sadd.s32 s14, s6;
	s10 =	sshrl.u32 s10, $0x3  }
0xf: {  	s17 =	ssub.s32 s7, s29;
	s18 =	sadd.s32 s30, s1;
	s7 =	sor.u32 $0x1C02, s31  }
0x10: {  	s23 =	simm.s32 $0x10;
	s8 =	sshrl.u32 s8, $0x3;
	s16 =	sadd.s32 s10, s6  }
0x11: {  	s9 =	sadd.s32 $0x4E00, s13;
	s10 =	sadd.s32 $0x14E00, s13;
	s13 =	smax.u32 s17, $0x1  }
0x12: {  	s17 =	simm.s32 $0x4000;
	s15 =	sadd.s32 s8, s6;
	s6 =	sadd.s32 $0x4CE00, s24  }
0x13: {  	s8 =	sadd.s32 $0x74E00, s14;
	s12 =	sadd.s32 $0x75400, s16;
	s14 =	sshrl.u32 s18, $0x3  }
0x14: {  	s16 =	sshrl.u32 s19, $0x3;
	s18 =	simm.s32 $0x50;
	s19 =	simm.s32 $0x8000  }
0x15: {  	v0 =	vimm.f32 $1.000000000e+00;
	s24 =	simm.s32 $0x0;
	s11 =	sadd.s32 $0x75E00, s15;
	s15 =	simm.s32 $0x2  }
.LBB2_1:
0x16: {  	[spmem:s14], [sflag:s7] =	dma.local [hbm:s6], $0x2800  }
0x17: {  	_ =	swait.ge [sflag:s15], $0x2800  }
0x18: {  	[sflag:s15] =	ssyncset.done $0x0  }
0x19: {  	[sflag:s15] =	ssyncadd.s32 $0xFFFFD800  }
0x1a: {  	[spmem:s16], [sflag:s7] =	dma.local [hbm:s8], $0x50  }
0x1b: {  	_ =	swait.ge [sflag:s15], $0x50  }
0x1c: {  	[sflag:s15] =	ssyncset.done $0x0  }
0x1d: {  	[sflag:s15] =	ssyncadd.s32 $0xFFFFFFB0  }
0x1e: {  	[tilespmem:s4], [sflag:$0x2] =	stream.linear.gather [hbm4b:s9+s4], $0x3E80, $0x38;
	[tilespmem:$0x1EB00] =	vst v63  }
0x1f: {  	_ =	swait.ge [sflag:s15], $0x3E80  }
0x20: {  	[sflag:s15] =	ssyncset.done $0x0  }
0x21: {  	[sflag:s15] =	ssyncadd.s32 $0xFFFFC180  }
0x22: {  	[tilespmem:s17], [sflag:$0x2] =	stream.linear.gather [hbm4b:s10+s4], $0x3E80, $0x38;
	[tilespmem:$0x1EB00] =	vst v63  }
0x23: {  	_ =	swait.ge [sflag:s15], $0x3E80  }
0x24: {  	[sflag:s15] =	ssyncset.done $0x0  }
0x25: {  	[sflag:s15] =	ssyncadd.s32 $0xFFFFC180  }
0x26: {  	[tilespmem:$0xA800] =	vst v0  }
0x27: {  	[tilespmem:$0xA810] =	vst v0  }
0x28: {  	[tilespmem:$0xA820] =	vst v0  }
0x29: {  	[tilespmem:$0xA830] =	vst v0  }
0x2a: {  	[tilespmem:$0xA840] =	vst v0  }
0x2b: {  	s25 =	simm.s32 $0x0;
	[bflag:$0x0] =	sbarrier.arrive $0xFFFF  }
0x2c: {  	[tilespmem:s19], [sflag:$0x1] =	stream.indirect.gather [hbm4b:s5+s18], $0x80, s25, s18, $0xb8;
	[tilespmem:$0x1EB00] =	vst v63  }
0x2d: {  	_ =	swait.ge [sflag:s20], $0x2800  }
0x2e: {  	[sflag:s20] =	ssyncset.done $0x0  }
0x2f: {  	s31 =	simm.s32 $0x4000;
	[sflag:s20] =	ssyncadd.s32 $0xFFFFD800  }
0x30: {  	[spmem:s1] =	stream.indirect.scatter.add.f32 [tilespmem:s19], [sflag:$0x2], $0x80, s31, s18, $0xb8;
	[tilespmem:$0x1EB00] =	vst v63  }
0x31: {  	_ =	swait.ge [sflag:s15], $0x2800  }
0x32: {  	[sflag:s15] =	ssyncset.done $0x0  }
0x33: {  	[sflag:s15] =	ssyncadd.s32 $0xFFFFD800  }
0x34: {  	[spmem:s2] =	stream.indirect.scatter.add.f32 [tilespmem:s21], [sflag:$0x2], $0x1, s31, s18, $0xb8;
	[tilespmem:$0x1EB00] =	vst v63  }
0x35: {  	_ =	swait.ge [sflag:s15], $0x50  }
0x36: {  	s26 =	simm.s32 $0x400;
	s25 =	simm.s32 $0x200;
	[sflag:s15] =	ssyncset.done $0x0  }
.LBB2_2:
0x37: {  	s28 =	sshra.s32 s25, $0x2  }
0x38: {  	[sflag:s15] =	ssyncadd.s32 $0xFFFFFFB0;
	s25 =	smov.u32 s26;
	s29 =	sadd.s32 $0x200, s26  }
0x39: {  	[tilespmem:s19], [sflag:$0x1] =	stream.indirect.gather [hbm4b:s5+s18], $0x80, s28, s18, $0xb8;
	[tilespmem:$0x1EB00] =	vst v63  }
0x3a: {  	p0 =	sne.s32 s26, $0xF800;
	_ =	swait.ge [sflag:s20], $0x2800  }
0x3b: {  	[sflag:s20] =	ssyncset.done $0x0  }
0x3c: {  	s26 =	sadd.s32 $0x4000, s28;
	[sflag:s20] =	ssyncadd.s32 $0xFFFFD800  }
0x3d: {  	[spmem:s1] =	stream.indirect.scatter.add.f32 [tilespmem:s19], [sflag:$0x2], $0x80, s26, s18, $0xb8;
	[tilespmem:$0x1EB00] =	vst v63  }
0x3e: {  	_ =	swait.ge [sflag:s15], $0x2800  }
.Ltmp0:
0x3f: {  	[sflag:s15] =	ssyncset.done $0x0;
	(pc) =	sbr.rel @p0 .LBB2_2-.Ltmp0, $4  }
0x40: {  	[sflag:s15] =	ssyncadd.s32 $0xFFFFD800  }
0x41: {  	[spmem:s2] =	stream.indirect.scatter.add.f32 [tilespmem:s21], [sflag:$0x2], $0x1, s26, s18, $0xb8;
	[tilespmem:$0x1EB00] =	vst v63  }
0x42: {  	_ =	swait.ge [sflag:s15], $0x50  }
0x43: {  	s26 =	smov.u32 s29;
	[sflag:s15] =	ssyncset.done $0x0  }
0x44: {  	s25 =	sshra.s32 s25, $0x2;
	[sflag:s15] =	ssyncadd.s32 $0xFFFFFFB0  }
0x45: {  	[tilespmem:s19], [sflag:$0x1] =	stream.indirect.gather [hbm4b:s5+s18], $0x80, s25, s18, $0xb8;
	[tilespmem:$0x1EB00] =	vst v63  }
0x46: {  	_ =	swait.ge [sflag:s20], $0x2800  }
0x47: {  	[sflag:s20] =	ssyncset.done $0x0  }
0x48: {  	s25 =	sadd.s32 $0x4000, s25;
	[sflag:s20] =	ssyncadd.s32 $0xFFFFD800  }
0x49: {  	[spmem:s1] =	stream.indirect.scatter.add.f32 [tilespmem:s19], [sflag:$0x2], $0x80, s25, s18, $0xb8;
	[tilespmem:$0x1EB00] =	vst v63  }
0x4a: {  	_ =	swait.ge [sflag:s15], $0x2800  }
0x4b: {  	[sflag:s15] =	ssyncset.done $0x0  }
0x4c: {  	[sflag:s15] =	ssyncadd.s32 $0xFFFFD800  }
0x4d: {  	[spmem:s2] =	stream.indirect.scatter.add.f32 [tilespmem:s21], [sflag:$0x2], $0x1, s25, s18, $0xb8;
	[tilespmem:$0x1EB00] =	vst v63  }
0x4e: {  	_ =	swait.ge [sflag:s15], $0x50  }
0x4f: {  	[sflag:s15] =	ssyncset.done $0x0  }
0x50: {  	[sflag:s15] =	ssyncadd.s32 $0xFFFFFFB0  }
0x51: {  	[bflag:$0x0] =	sbarrier.arrive $0xFFFF  }
0x52: {  	[hbm:s11], [sflag:s7] =	dma.local [spmem:s14], $0x2800  }
0x53: {  	s24 =	sadd.s32 $0x1, s24;
	_ =	swait.ge [sflag:s15], $0x2800  }
0x54: {  	p0 =	sne.s32 s24, s13;
	[sflag:s15] =	ssyncset.done $0x0  }
.Ltmp1:
0x55: {  	[sflag:s15] =	ssyncadd.s32 $0xFFFFD800;
	(pc) =	sbr.rel @p0 .LBB2_1-.Ltmp1, $4  }
0x56: {  	[hbm:s12@s22], [sflag:s7] =	dma.strided [spmem:s16@s23], $0x50, s20, $0x10   }
0x57: {  	_ =	swait.ge [sflag:s15], $0x50  }
0x58: {  	[sflag:s15] =	ssyncset.done $0x0  }
0x59: {  	[sflag:s15] =	ssyncadd.s32 $0xFFFFFFB0  }
0x5a: {  	_ =	sfence.sel $0x180000  }
0x5b: {  	[bflag:$0x0] =	sbarrier.arrive $0xFFFF  }
0x5c: {  	p0 =	sne.s32 s3, $0x0;
	_ =	strace $0x90000047  }
0x5d: {  	s0 =	sadd.s32 @!p0 $0x100000, s0;
	[bflag:$0x2] =	sbarrier.arrive $0xFFFF  }
0x5e: {  	[sflag:s0] =	ssyncadd.tile.s32 @!p0 $0x1;
	_ =	shalt  }
.Lfunc_end2:
_tile_overlayer_lowered:
.L_overlay_start_2:
0x5f: {  	(tag) =	ssettag $0x2  }
0x60: {  	s0 =	rddreg [dreg:$0x0];
	s2 =	stileid.u32  }
0x61: {  	s1 =	rddreg [dreg:$0x1];
	p0 =	sne.s32 s2, $0x0  }
0x62: {  	s3 =	rddreg [dreg:$0x2];
	[bflag:$0x3] =	sbarrier.arrive $0xFFFF;
	s2 =	simm.s32 @!p0 $0x1C02  }
0x63: {  	[timem:s3], [sflag:s2] =	dma.local @!p0 [hbm:s0], s1  }
0x64: {  	s0 =	simm.s32 @!p0 $0x2  }
0x65: {  	_ =	swait.ge @!p0 [sflag:s0], s1  }
0x66: {  	s1 =	ssub.s32 @!p0 $0x0, s1;
	[sflag:s0] =	ssyncset.done @!p0 $0x0  }
0x67: {  	[sflag:s0] =	ssyncadd.s32 @!p0 s1  }
0x68: {  	[bflag:$0x3] =	sbarrier.arrive $0xFFFF  }
0x69: {  	_ =	shalt  }

</sc_bundles>
